<compile_context>
chip_gen: v7x
topology: tpu7x:2x2x1
jax: 0.10.2.dev20260603
libtpu: 0.0.44.dev20260713+nightly
codegen_flags: <defaults>
</compile_context>

<pallas_src>
import functools

import jax
import jax.numpy as jnp
from jax import lax
from jax.experimental import pallas as pl
from jax.experimental.pallas import tpu as pltpu
from jax.experimental.pallas import tpu_sc as plsc

VOCAB = 100000
EMBED_DIM = 64
BATCH = 4096
HIST = 50
_NB = BATCH // 128


def _make_gather():
    mesh = plsc.VectorSubcoreMesh(core_axis_name="c", subcore_axis_name="s")

    @functools.partial(
        pl.kernel,
        out_type=jax.ShapeDtypeStruct((HIST, 8, _NB, 8, 128), jnp.float32),
        mesh=mesh,
        scratch_types=[
            pltpu.VMEM((1, VOCAB), jnp.float32),
            pltpu.VMEM((BATCH,), jnp.int32),
            pltpu.VMEM((BATCH,), jnp.int32),
            pltpu.VMEM((2, _NB, 128), jnp.float32),
            pltpu.VMEM((2, _NB, 128), jnp.float32),
            pltpu.SemaphoreType.DMA,
            pltpu.SemaphoreType.DMA,
            pltpu.SemaphoreType.DMA,
            pltpu.SemaphoreType.DMA,
        ],
        compiler_params=pltpu.CompilerParams(use_tc_tiling_on_sc=True,
                                             needs_layout_passes=False),
    )
    def gather_kernel(tableT_hbm, idx_hbm, out_hbm,
                      row_v, idx0_v, idx1_v, pblk0, pblk1,
                      isem0, isem1, osem0, osem1):
        wid = lax.axis_index("s") * 2 + lax.axis_index("c")
        zero16 = jnp.zeros((16,), jnp.int32)
        idxb = (idx0_v, idx1_v)
        isems = (isem0, isem1)
        pblks = (pblk0, pblk1)
        osems = (osem0, osem1)

        def fill_blk(idx_v, pblk, slot):
            @plsc.parallel_loop(0, _NB)
            def _k(k):
                for s in range(8):
                    iv = idx_v[pl.ds(k * 128 + s * 16, 16)]
                    vals = plsc.load_gather(row_v, [zero16, iv])
                    pblk[slot, k, pl.ds(s * 16, 16)] = vals

        def fire_idx(h, b):
            pltpu.async_copy(idx_hbm.at[pl.ds(h * BATCH, BATCH)],
                             idxb[b], isems[b])

        def wait_idx(b):
            pltpu.make_async_copy(idx_hbm.at[pl.ds(0, BATCH)],
                                  idxb[b], isems[b]).wait()

        def fire_out(h0, pb, e_hi, e_lo):
            pltpu.async_copy(pblks[pb],
                             out_hbm.at[pl.ds(h0, 2), e_hi, :, e_lo, :],
                             osems[pb])

        def wait_out(pb):
            pltpu.make_async_copy(pblks[pb],
                                  out_hbm.at[pl.ds(0, 2), 0, :, 0, :],
                                  osems[pb]).wait()

        def do_pair(g, pb, e_hi, e_lo, prefetch):
            h0 = 2 * g
            wait_idx(0)
            fill_blk(idx0_v, pblks[pb], 0)
            if prefetch:
                fire_idx(h0 + 2, 0)
            wait_idx(1)
            fill_blk(idx1_v, pblks[pb], 1)
            if prefetch:
                fire_idx(h0 + 3, 1)
            fire_out(h0, pb, e_hi, e_lo)

        @pl.loop(0, 2)
        def _pass(p):
            e = p * 32 + wid
            e_hi = e // 8
            e_lo = e % 8
            pltpu.sync_copy(tableT_hbm.at[pl.ds(e, 1), :], row_v)
            fire_idx(0, 0)
            fire_idx(1, 1)

            @pl.loop(0, 12)
            def _t(t):
                for pb in range(2):
                    g = 2 * t + pb

                    @pl.when(t >= 1)
                    def _():
                        wait_out(pb)

                    do_pair(g, pb, e_hi, e_lo, prefetch=True)

            wait_out(0)
            do_pair(24, 0, e_hi, e_lo, prefetch=False)
            wait_out(0)
            wait_out(1)

    return gather_kernel


_GATHER = _make_gather()


def kernel(vocab_embeddings, token_en):
    idx = token_en.T.reshape(BATCH * HIST).astype(jnp.int32)
    o5 = _GATHER(vocab_embeddings.T, idx)
    flat = o5.transpose(2, 4, 0, 1, 3).reshape(BATCH, HIST, EMBED_DIM)
    return (flat,)

# --- scband reference (transcript-rebuilt; emitter-appended) ---
"""Pipeline reference for scband-atom-simple-embed-64063732187513 (READ-ONLY COPY).

The authoritative reference and input builder live on the scoring server;
editing this copy changes nothing except your own understanding.
"""

import jax, jax.numpy as jnp
import numpy as np

VOCAB = 100000
EMBED_DIM = 64
BATCH = 4096
HIST = 50

def setup_inputs(seed: int = 0) -> dict:
    key = jax.random.key(seed)
    k1, k2 = jax.random.split(key)
    vocab_embeddings = jax.random.normal(k1, (VOCAB, EMBED_DIM), dtype=jnp.float32)
    token_en = jax.random.randint(k2, (BATCH, HIST), 0, VOCAB, dtype=jnp.int64)
    return {"vocab_embeddings": vocab_embeddings, "token_en": token_en}

def reference(vocab_embeddings, token_en):
    # Faithful translation of AtomSimpleEmbed.compute_h:
    #   return [self.vocab_embeddings[token_en]]
    h = jnp.take(vocab_embeddings, token_en, axis=0)
    return (h,)

if __name__ == "__main__":
    import jax
    _d = setup_inputs()
    print(jax.jit(kernel)(*tuple(_d.values())))

</pallas_src>

<mosaic_0001>
#map = affine_map<(d0, d1) -> (0, 0)>
#map1 = affine_map<(d0, d1) -> (0)>
#map2 = affine_map<(d0, d1) -> (0, 0, 0, 0, 0)>
module attributes {stable_mosaic.version = 14 : i64} {
  func.func @gather_kernel(%arg0: i32, %arg1: i32, %arg2: memref<64x100000xf32, #tpu.memory_space<hbm>>, %arg3: memref<204800xi32, #tpu.memory_space<hbm>>, %arg4: memref<50x8x32x8x128xf32, #tpu.memory_space<hbm>>, %arg5: memref<1x100000xf32, #tpu.memory_space<vmem>>, %arg6: memref<4096xi32, #tpu.memory_space<vmem>>, %arg7: memref<4096xi32, #tpu.memory_space<vmem>>, %arg8: memref<2x32x128xf32, #tpu.memory_space<vmem>>, %arg9: memref<2x32x128xf32, #tpu.memory_space<vmem>>, %arg10: memref<!tpu.dma_semaphore, #tpu.memory_space<semaphore_mem>>, %arg11: memref<!tpu.dma_semaphore, #tpu.memory_space<semaphore_mem>>, %arg12: memref<!tpu.dma_semaphore, #tpu.memory_space<semaphore_mem>>, %arg13: memref<!tpu.dma_semaphore, #tpu.memory_space<semaphore_mem>>) attributes {dimension_semantics = [#tpu.dimension_semantics<core_parallel>, #tpu.dimension_semantics<subcore_parallel>], iteration_bounds = array<i64: 2, 16>, scalar_prefetch = 0 : i64, scratch_operands = 9 : i64, tpu.core_type = #tpu.core_type<sc_vector_subcore>, window_params = [{transform_indices = #map}, {transform_indices = #map1}, {transform_indices = #map2}]} {
    %mul3A = arith.constant 2 : i32
    %mul3A_0 = arith.muli %arg1, %mul3A : i32
    %add3A = arith.addi %mul3A_0, %arg0 : i32
    %broadcast_in_dim3A = arith.constant 0 : i32
    %broadcast_in_dim3A_1 = vector.broadcast %broadcast_in_dim3A : i32 to vector<16xi32>
    %scan3A = arith.constant 0 : i32
    %scan3A_2 = arith.constant 2 : i32
    %scan3A_3 = arith.addi %scan3A, %scan3A_2 : i32
    %scan3A_4 = arith.constant 1 : i32
    scf.for %scan3A_6 = %scan3A to %scan3A_3 step %scan3A_4  : i32 {
      %mul3A_7 = arith.constant 1 : i32
      %mul3A_8 = arith.muli %scan3A_6, %mul3A_7 : i32
      %add3A_9 = arith.constant 0 : i32
      %add3A_10 = arith.addi %add3A_9, %mul3A_8 : i32
      %mul3A_11 = arith.constant 32 : i32
      %mul3A_12 = arith.muli %add3A_10, %mul3A_11 : i32
      %add3A_13 = arith.addi %mul3A_12, %add3A : i32
      %jit3A = arith.constant 8 : i32
      %div3A = arith.divsi %add3A_13, %jit3A : i32
      %sign3A = arith.constant 0 : i32
      %sign3A_14 = arith.cmpi sgt, %add3A_13, %sign3A : i32
      %sign3A_15 = arith.extui %sign3A_14 : i1 to i32
      %sign3A_16 = arith.constant 0 : i32
      %sign3A_17 = arith.cmpi slt, %add3A_13, %sign3A_16 : i32
      %sign3A_18 = arith.extui %sign3A_17 : i1 to i32
      %sign3A_19 = arith.subi %sign3A_15, %sign3A_18 : i32
      %sign3A_20 = arith.constant 0 : i32
      %sign3A_21 = arith.cmpi sgt, %jit3A, %sign3A_20 : i32
      %sign3A_22 = arith.extui %sign3A_21 : i1 to i32
      %sign3A_23 = arith.constant 0 : i32
      %sign3A_24 = arith.cmpi slt, %jit3A, %sign3A_23 : i32
      %sign3A_25 = arith.extui %sign3A_24 : i1 to i32
      %sign3A_26 = arith.subi %sign3A_22, %sign3A_25 : i32
      %ne3A = arith.cmpi ne, %sign3A_19, %sign3A_26 : i32
      %rem3A = arith.remsi %add3A_13, %jit3A : i32
      %ne3A_27 = arith.constant 0 : i32
      %ne3A_28 = arith.cmpi ne, %rem3A, %ne3A_27 : i32
      %and3A = arith.andi %ne3A, %ne3A_28 : i1
      %sub3A = arith.constant 1 : i32
      %sub3A_29 = arith.subi %div3A, %sub3A : i32
      %select_n3A = arith.select %and3A, %sub3A_29, %div3A : i32
      %jit3A_30 = arith.constant 8 : i32
      %eq3A = arith.constant 0 : i32
      %eq3A_31 = arith.cmpi eq, %jit3A_30, %eq3A : i32
      %jit3A_32 = arith.constant 1 : i32
      %select_n3A_33 = arith.select %eq3A_31, %jit3A_32, %jit3A_30 : i32
      %rem3A_34 = arith.remsi %add3A_13, %select_n3A_33 : i32
      %ne3A_35 = arith.constant 0 : i32
      %ne3A_36 = arith.cmpi ne, %rem3A_34, %ne3A_35 : i32
      %lt3A = arith.constant 0 : i32
      %lt3A_37 = arith.cmpi slt, %rem3A_34, %lt3A : i32
      %lt3A_38 = arith.constant 0 : i32
      %lt3A_39 = arith.cmpi slt, %select_n3A_33, %lt3A_38 : i32
      %ne3A_40 = arith.xori %lt3A_37, %lt3A_39 : i1
      %and3A_41 = arith.andi %ne3A_40, %ne3A_36 : i1
      %add3A_42 = arith.addi %rem3A_34, %select_n3A_33 : i32
      %select_n3A_43 = arith.select %and3A_41, %add3A_42, %rem3A_34 : i32
      "tpu.region"() ({
        %run_scoped3A = tpu.sem_alloc : memref<!tpu.dma_semaphore, #tpu.memory_space<semaphore_mem>>
        %dma_start3A_114 = arith.constant 0 : i32
        %dma_start3A_115 = tpu.memref_slice %arg2[%add3A_13, %dma_start3A_114] : memref<64x100000xf32, #tpu.memory_space<hbm>> -> memref<1x100000xf32, #tpu.memory_space<hbm>>
        %dma_start3A_116 = arith.constant 0 : i32
        %dma_start3A_117 = tpu.memref_slice %arg2[%add3A_13, %dma_start3A_116] : memref<64x100000xf32, #tpu.memory_space<hbm>> -> memref<1x100000xf32, #tpu.memory_space<hbm>>
        tpu.enqueue_dma source(%dma_start3A_117 : memref<1x100000xf32, #tpu.memory_space<hbm>>) target(%arg5 : memref<1x100000xf32, #tpu.memory_space<vmem>>) target_semaphore(%run_scoped3A : memref<!tpu.dma_semaphore, #tpu.memory_space<semaphore_mem>>)
        %dma_wait3A_118 = arith.constant 0 : i32
        %dma_wait3A_119 = tpu.memref_slice %arg2[%add3A_13, %dma_wait3A_118] : memref<64x100000xf32, #tpu.memory_space<hbm>> -> memref<1x100000xf32, #tpu.memory_space<hbm>>
        %dma_wait3A_120 = arith.constant 0 : i32
        %dma_wait3A_121 = tpu.memref_slice %arg2[%add3A_13, %dma_wait3A_120] : memref<64x100000xf32, #tpu.memory_space<hbm>> -> memref<1x100000xf32, #tpu.memory_space<hbm>>
        tpu.wait_dma2 semaphore(%run_scoped3A : memref<!tpu.dma_semaphore, #tpu.memory_space<semaphore_mem>>) src(%dma_wait3A_121 : memref<1x100000xf32, #tpu.memory_space<hbm>>) dst(%arg5 : memref<1x100000xf32, #tpu.memory_space<vmem>>)
        tpu.yield
      }) : () -> ()
      %dma_start3A = arith.constant 0 : i32
      %dma_start3A_44 = tpu.memref_slice %arg3[%dma_start3A] : memref<204800xi32, #tpu.memory_space<hbm>> -> memref<4096xi32, #tpu.memory_space<hbm>>
      %dma_start3A_45 = arith.constant 0 : i32
      %dma_start3A_46 = tpu.memref_slice %arg3[%dma_start3A_45] : memref<204800xi32, #tpu.memory_space<hbm>> -> memref<4096xi32, #tpu.memory_space<hbm>>
      tpu.enqueue_dma source(%dma_start3A_46 : memref<4096xi32, #tpu.memory_space<hbm>>) target(%arg6 : memref<4096xi32, #tpu.memory_space<vmem>>) target_semaphore(%arg10 : memref<!tpu.dma_semaphore, #tpu.memory_space<semaphore_mem>>)
      %dma_start3A_47 = arith.constant 4096 : i32
      %dma_start3A_48 = tpu.memref_slice %arg3[%dma_start3A_47] : memref<204800xi32, #tpu.memory_space<hbm>> -> memref<4096xi32, #tpu.memory_space<hbm>>
      %dma_start3A_49 = arith.constant 4096 : i32
      %dma_start3A_50 = tpu.memref_slice %arg3[%dma_start3A_49] : memref<204800xi32, #tpu.memory_space<hbm>> -> memref<4096xi32, #tpu.memory_space<hbm>>
      tpu.enqueue_dma source(%dma_start3A_50 : memref<4096xi32, #tpu.memory_space<hbm>>) target(%arg7 : memref<4096xi32, #tpu.memory_space<vmem>>) target_semaphore(%arg11 : memref<!tpu.dma_semaphore, #tpu.memory_space<semaphore_mem>>)
      %scan3A_51 = arith.constant 0 : i32
      %scan3A_52 = arith.constant 12 : i32
      %scan3A_53 = arith.addi %scan3A_51, %scan3A_52 : i32
      %scan3A_54 = arith.constant 1 : i32
      scf.for %scan3A_114 = %scan3A_51 to %scan3A_53 step %scan3A_54  : i32 {
        %mul3A_115 = arith.constant 1 : i32
        %mul3A_116 = arith.muli %scan3A_114, %mul3A_115 : i32
        %add3A_117 = arith.constant 0 : i32
        %add3A_118 = arith.addi %add3A_117, %mul3A_116 : i32
        %mul3A_119 = arith.constant 2 : i32
        %mul3A_120 = arith.muli %mul3A_119, %add3A_118 : i32
        %add3A_121 = arith.constant 0 : i32
        %add3A_122 = arith.addi %mul3A_120, %add3A_121 : i32
        %ge3A = arith.constant 1 : i32
        %ge3A_123 = arith.cmpi sge, %add3A_118, %ge3A : i32
        %convert_element_type3A = arith.extui %ge3A_123 : i1 to i32
        %cond3A = arith.constant 0 : i32
        %cond3A_124 = arith.cmpi ne, %convert_element_type3A, %cond3A : i32
        scf.if %cond3A_124 {
          %dma_wait3A_206 = arith.constant 0 : i32
          %dma_wait3A_207 = arith.constant 0 : i32
          %dma_wait3A_208 = arith.constant 0 : i32
          %dma_wait3A_209 = arith.constant 0 : i32
          %dma_wait3A_210 = arith.constant 0 : i32
          %dma_wait3A_211 = tpu.memref_slice %arg4[%dma_wait3A_208, %dma_wait3A_206, %dma_wait3A_209, %dma_wait3A_207, %dma_wait3A_210] : memref<50x8x32x8x128xf32, #tpu.memory_space<hbm>> -> memref<2x1x32x1x128xf32, #tpu.memory_space<hbm>>
          %dma_wait3A_212 = tpu.memref_squeeze %dma_wait3A_211 : memref<2x1x32x1x128xf32, #tpu.memory_space<hbm>> -> memref<2x32x128xf32, #tpu.memory_space<hbm>>
          %dma_wait3A_213 = arith.constant 0 : i32
          %dma_wait3A_214 = arith.constant 0 : i32
          %dma_wait3A_215 = arith.constant 0 : i32
          %dma_wait3A_216 = tpu.memref_slice %arg4[%dma_wait3A_213, %dma_wait3A_206, %dma_wait3A_214, %dma_wait3A_207, %dma_wait3A_215] : memref<50x8x32x8x128xf32, #tpu.memory_space<hbm>> -> memref<2x1x32x1x128xf32, #tpu.memory_space<hbm>>
          %dma_wait3A_217 = tpu.memref_squeeze %dma_wait3A_216 : memref<2x1x32x1x128xf32, #tpu.memory_space<hbm>> -> memref<2x32x128xf32, #tpu.memory_space<hbm>>
          tpu.wait_dma2 semaphore(%arg12 : memref<!tpu.dma_semaphore, #tpu.memory_space<semaphore_mem>>) src(%arg8 : memref<2x32x128xf32, #tpu.memory_space<vmem>>) dst(%dma_wait3A_217 : memref<2x32x128xf32, #tpu.memory_space<hbm>>)
        } else {
        }
        %mul3A_125 = arith.constant 2 : i32
        %mul3A_126 = arith.muli %mul3A_125, %add3A_122 : i32
        %dma_wait3A_127 = arith.constant 0 : i32
        %dma_wait3A_128 = tpu.memref_slice %arg3[%dma_wait3A_127] : memref<204800xi32, #tpu.memory_space<hbm>> -> memref<4096xi32, #tpu.memory_space<hbm>>
        %dma_wait3A_129 = arith.constant 0 : i32
        %dma_wait3A_130 = tpu.memref_slice %arg3[%dma_wait3A_129] : memref<204800xi32, #tpu.memory_space<hbm>> -> memref<4096xi32, #tpu.memory_space<hbm>>
        tpu.wait_dma2 semaphore(%arg10 : memref<!tpu.dma_semaphore, #tpu.memory_space<semaphore_mem>>) src(%dma_wait3A_130 : memref<4096xi32, #tpu.memory_space<hbm>>) dst(%arg6 : memref<4096xi32, #tpu.memory_space<vmem>>)
        %parallel_loop3A_131 = arith.constant 0 : i32
        %parallel_loop3A_132 = arith.constant 32 : i32
        %parallel_loop3A_133 = arith.constant 1 : i32
        scf.for %parallel_loop3A_206 = %parallel_loop3A_131 to %parallel_loop3A_132 step %parallel_loop3A_133  : i32 {
          %parallel_loop3A_207 = arith.constant 128 : i32
          %parallel_loop3A_208 = arith.muli %parallel_loop3A_206, %parallel_loop3A_207 : i32
          %parallel_loop3A_209 = arith.constant 0 : i32
          %parallel_loop3A_210 = arith.addi %parallel_loop3A_208, %parallel_loop3A_209 : i32
          %parallel_loop3A_211 = arith.index_cast %parallel_loop3A_210 : i32 to index
          %parallel_loop3A_212 = tpu.vector_load %arg6[%parallel_loop3A_211] {strides = array<i32>} : memref<4096xi32, #tpu.memory_space<vmem>>, vector<16xi32>,
          %parallel_loop3A_213 = tpu.vector_load_idx %arg5[%broadcast_in_dim3A_1, %parallel_loop3A_212] : memref<1x100000xf32, #tpu.memory_space<vmem>>[vector<16xi32>, vector<16xi32>], vector<16xf32>,
          %parallel_loop3A_214 = arith.constant 0 : i32
          %parallel_loop3A_215 = arith.index_cast %parallel_loop3A_214 : i32 to index
          %parallel_loop3A_216 = arith.index_cast %parallel_loop3A_206 : i32 to index
          %parallel_loop3A_217 = arith.constant 0 : index
          %parallel_loop3A_218 = tpu.vector_load %arg8[%parallel_loop3A_215, %parallel_loop3A_216, %parallel_loop3A_217] {strides = array<i32>} : memref<2x32x128xf32, #tpu.memory_space<vmem>>, vector<16xf32>,
          tpu.vector_store %arg8[%parallel_loop3A_215, %parallel_loop3A_216, %parallel_loop3A_217], %parallel_loop3A_213 {strides = array<i32>} : memref<2x32x128xf32, #tpu.memory_space<vmem>>, vector<16xf32>,
          %parallel_loop3A_219 = arith.constant 128 : i32
          %parallel_loop3A_220 = arith.muli %parallel_loop3A_206, %parallel_loop3A_219 : i32
          %parallel_loop3A_221 = arith.constant 16 : i32
          %parallel_loop3A_222 = arith.addi %parallel_loop3A_220, %parallel_loop3A_221 : i32
          %parallel_loop3A_223 = arith.index_cast %parallel_loop3A_222 : i32 to index
          %parallel_loop3A_224 = tpu.vector_load %arg6[%parallel_loop3A_223] {strides = array<i32>} : memref<4096xi32, #tpu.memory_space<vmem>>, vector<16xi32>,
          %parallel_loop3A_225 = tpu.vector_load_idx %arg5[%broadcast_in_dim3A_1, %parallel_loop3A_224] : memref<1x100000xf32, #tpu.memory_space<vmem>>[vector<16xi32>, vector<16xi32>], vector<16xf32>,
          %parallel_loop3A_226 = arith.constant 0 : i32
          %parallel_loop3A_227 = arith.index_cast %parallel_loop3A_226 : i32 to index
          %parallel_loop3A_228 = arith.index_cast %parallel_loop3A_206 : i32 to index
          %parallel_loop3A_229 = arith.constant 16 : index
          %parallel_loop3A_230 = tpu.vector_load %arg8[%parallel_loop3A_227, %parallel_loop3A_228, %parallel_loop3A_229] {strides = array<i32>} : memref<2x32x128xf32, #tpu.memory_space<vmem>>, vector<16xf32>,
          tpu.vector_store %arg8[%parallel_loop3A_227, %parallel_loop3A_228, %parallel_loop3A_229], %parallel_loop3A_225 {strides = array<i32>} : memref<2x32x128xf32, #tpu.memory_space<vmem>>, vector<16xf32>,
          %parallel_loop3A_231 = arith.constant 128 : i32
          %parallel_loop3A_232 = arith.muli %parallel_loop3A_206, %parallel_loop3A_231 : i32
          %parallel_loop3A_233 = arith.constant 32 : i32
          %parallel_loop3A_234 = arith.addi %parallel_loop3A_232, %parallel_loop3A_233 : i32
          %parallel_loop3A_235 = arith.index_cast %parallel_loop3A_234 : i32 to index
          %parallel_loop3A_236 = tpu.vector_load %arg6[%parallel_loop3A_235] {strides = array<i32>} : memref<4096xi32, #tpu.memory_space<vmem>>, vector<16xi32>,
          %parallel_loop3A_237 = tpu.vector_load_idx %arg5[%broadcast_in_dim3A_1, %parallel_loop3A_236] : memref<1x100000xf32, #tpu.memory_space<vmem>>[vector<16xi32>, vector<16xi32>], vector<16xf32>,
          %parallel_loop3A_238 = arith.constant 0 : i32
          %parallel_loop3A_239 = arith.index_cast %parallel_loop3A_238 : i32 to index
          %parallel_loop3A_240 = arith.index_cast %parallel_loop3A_206 : i32 to index
          %parallel_loop3A_241 = arith.constant 32 : index
          %parallel_loop3A_242 = tpu.vector_load %arg8[%parallel_loop3A_239, %parallel_loop3A_240, %parallel_loop3A_241] {strides = array<i32>} : memref<2x32x128xf32, #tpu.memory_space<vmem>>, vector<16xf32>,
          tpu.vector_store %arg8[%parallel_loop3A_239, %parallel_loop3A_240, %parallel_loop3A_241], %parallel_loop3A_237 {strides = array<i32>} : memref<2x32x128xf32, #tpu.memory_space<vmem>>, vector<16xf32>,
          %parallel_loop3A_243 = arith.constant 128 : i32
          %parallel_loop3A_244 = arith.muli %parallel_loop3A_206, %parallel_loop3A_243 : i32
          %parallel_loop3A_245 = arith.constant 48 : i32
          %parallel_loop3A_246 = arith.addi %parallel_loop3A_244, %parallel_loop3A_245 : i32
          %parallel_loop3A_247 = arith.index_cast %parallel_loop3A_246 : i32 to index
          %parallel_loop3A_248 = tpu.vector_load %arg6[%parallel_loop3A_247] {strides = array<i32>} : memref<4096xi32, #tpu.memory_space<vmem>>, vector<16xi32>,
          %parallel_loop3A_249 = tpu.vector_load_idx %arg5[%broadcast_in_dim3A_1, %parallel_loop3A_248] : memref<1x100000xf32, #tpu.memory_space<vmem>>[vector<16xi32>, vector<16xi32>], vector<16xf32>,
          %parallel_loop3A_250 = arith.constant 0 : i32
          %parallel_loop3A_251 = arith.index_cast %parallel_loop3A_250 : i32 to index
          %parallel_loop3A_252 = arith.index_cast %parallel_loop3A_206 : i32 to index
          %parallel_loop3A_253 = arith.constant 48 : index
          %parallel_loop3A_254 = tpu.vector_load %arg8[%parallel_loop3A_251, %parallel_loop3A_252, %parallel_loop3A_253] {strides = array<i32>} : memref<2x32x128xf32, #tpu.memory_space<vmem>>, vector<16xf32>,
          tpu.vector_store %arg8[%parallel_loop3A_251, %parallel_loop3A_252, %parallel_loop3A_253], %parallel_loop3A_249 {strides = array<i32>} : memref<2x32x128xf32, #tpu.memory_space<vmem>>, vector<16xf32>,
          %parallel_loop3A_255 = arith.constant 128 : i32
          %parallel_loop3A_256 = arith.muli %parallel_loop3A_206, %parallel_loop3A_255 : i32
          %parallel_loop3A_257 = arith.constant 64 : i32
          %parallel_loop3A_258 = arith.addi %parallel_loop3A_256, %parallel_loop3A_257 : i32
          %parallel_loop3A_259 = arith.index_cast %parallel_loop3A_258 : i32 to index
          %parallel_loop3A_260 = tpu.vector_load %arg6[%parallel_loop3A_259] {strides = array<i32>} : memref<4096xi32, #tpu.memory_space<vmem>>, vector<16xi32>,
          %parallel_loop3A_261 = tpu.vector_load_idx %arg5[%broadcast_in_dim3A_1, %parallel_loop3A_260] : memref<1x100000xf32, #tpu.memory_space<vmem>>[vector<16xi32>, vector<16xi32>], vector<16xf32>,
          %parallel_loop3A_262 = arith.constant 0 : i32
          %parallel_loop3A_263 = arith.index_cast %parallel_loop3A_262 : i32 to index
          %parallel_loop3A_264 = arith.index_cast %parallel_loop3A_206 : i32 to index
          %parallel_loop3A_265 = arith.constant 64 : index
          %parallel_loop3A_266 = tpu.vector_load %arg8[%parallel_loop3A_263, %parallel_loop3A_264, %parallel_loop3A_265] {strides = array<i32>} : memref<2x32x128xf32, #tpu.memory_space<vmem>>, vector<16xf32>,
          tpu.vector_store %arg8[%parallel_loop3A_263, %parallel_loop3A_264, %parallel_loop3A_265], %parallel_loop3A_261 {strides = array<i32>} : memref<2x32x128xf32, #tpu.memory_space<vmem>>, vector<16xf32>,
          %parallel_loop3A_267 = arith.constant 128 : i32
          %parallel_loop3A_268 = arith.muli %parallel_loop3A_206, %parallel_loop3A_267 : i32
          %parallel_loop3A_269 = arith.constant 80 : i32
          %parallel_loop3A_270 = arith.addi %parallel_loop3A_268, %parallel_loop3A_269 : i32
          %parallel_loop3A_271 = arith.index_cast %parallel_loop3A_270 : i32 to index
          %parallel_loop3A_272 = tpu.vector_load %arg6[%parallel_loop3A_271] {strides = array<i32>} : memref<4096xi32, #tpu.memory_space<vmem>>, vector<16xi32>,
          %parallel_loop3A_273 = tpu.vector_load_idx %arg5[%broadcast_in_dim3A_1, %parallel_loop3A_272] : memref<1x100000xf32, #tpu.memory_space<vmem>>[vector<16xi32>, vector<16xi32>], vector<16xf32>,
          %parallel_loop3A_274 = arith.constant 0 : i32
          %parallel_loop3A_275 = arith.index_cast %parallel_loop3A_274 : i32 to index
          %parallel_loop3A_276 = arith.index_cast %parallel_loop3A_206 : i32 to index
          %parallel_loop3A_277 = arith.constant 80 : index
          %parallel_loop3A_278 = tpu.vector_load %arg8[%parallel_loop3A_275, %parallel_loop3A_276, %parallel_loop3A_277] {strides = array<i32>} : memref<2x32x128xf32, #tpu.memory_space<vmem>>, vector<16xf32>,
          tpu.vector_store %arg8[%parallel_loop3A_275, %parallel_loop3A_276, %parallel_loop3A_277], %parallel_loop3A_273 {strides = array<i32>} : memref<2x32x128xf32, #tpu.memory_space<vmem>>, vector<16xf32>,
          %parallel_loop3A_279 = arith.constant 128 : i32
          %parallel_loop3A_280 = arith.muli %parallel_loop3A_206, %parallel_loop3A_279 : i32
          %parallel_loop3A_281 = arith.constant 96 : i32
          %parallel_loop3A_282 = arith.addi %parallel_loop3A_280, %parallel_loop3A_281 : i32
          %parallel_loop3A_283 = arith.index_cast %parallel_loop3A_282 : i32 to index
          %parallel_loop3A_284 = tpu.vector_load %arg6[%parallel_loop3A_283] {strides = array<i32>} : memref<4096xi32, #tpu.memory_space<vmem>>, vector<16xi32>,
          %parallel_loop3A_285 = tpu.vector_load_idx %arg5[%broadcast_in_dim3A_1, %parallel_loop3A_284] : memref<1x100000xf32, #tpu.memory_space<vmem>>[vector<16xi32>, vector<16xi32>], vector<16xf32>,
          %parallel_loop3A_286 = arith.constant 0 : i32
          %parallel_loop3A_287 = arith.index_cast %parallel_loop3A_286 : i32 to index
          %parallel_loop3A_288 = arith.index_cast %parallel_loop3A_206 : i32 to index
          %parallel_loop3A_289 = arith.constant 96 : index
          %parallel_loop3A_290 = tpu.vector_load %arg8[%parallel_loop3A_287, %parallel_loop3A_288, %parallel_loop3A_289] {strides = array<i32>} : memref<2x32x128xf32, #tpu.memory_space<vmem>>, vector<16xf32>,
          tpu.vector_store %arg8[%parallel_loop3A_287, %parallel_loop3A_288, %parallel_loop3A_289], %parallel_loop3A_285 {strides = array<i32>} : memref<2x32x128xf32, #tpu.memory_space<vmem>>, vector<16xf32>,
          %parallel_loop3A_291 = arith.constant 128 : i32
          %parallel_loop3A_292 = arith.muli %parallel_loop3A_206, %parallel_loop3A_291 : i32
          %parallel_loop3A_293 = arith.constant 112 : i32
          %parallel_loop3A_294 = arith.addi %parallel_loop3A_292, %parallel_loop3A_293 : i32
          %parallel_loop3A_295 = arith.index_cast %parallel_loop3A_294 : i32 to index
          %parallel_loop3A_296 = tpu.vector_load %arg6[%parallel_loop3A_295] {strides = array<i32>} : memref<4096xi32, #tpu.memory_space<vmem>>, vector<16xi32>,
          %parallel_loop3A_297 = tpu.vector_load_idx %arg5[%broadcast_in_dim3A_1, %parallel_loop3A_296] : memref<1x100000xf32, #tpu.memory_space<vmem>>[vector<16xi32>, vector<16xi32>], vector<16xf32>,
          %parallel_loop3A_298 = arith.constant 0 : i32
          %parallel_loop3A_299 = arith.index_cast %parallel_loop3A_298 : i32 to index
          %parallel_loop3A_300 = arith.index_cast %parallel_loop3A_206 : i32 to index
          %parallel_loop3A_301 = arith.constant 112 : index
          %parallel_loop3A_302 = tpu.vector_load %arg8[%parallel_loop3A_299, %parallel_loop3A_300, %parallel_loop3A_301] {strides = array<i32>} : memref<2x32x128xf32, #tpu.memory_space<vmem>>, vector<16xf32>,
          tpu.vector_store %arg8[%parallel_loop3A_299, %parallel_loop3A_300, %parallel_loop3A_301], %parallel_loop3A_297 {strides = array<i32>} : memref<2x32x128xf32, #tpu.memory_space<vmem>>, vector<16xf32>,
        } {sc.loop_unroll_factor = 1 : i64, sc.parallel_access}
        %add3A_134 = arith.constant 2 : i32
        %add3A_135 = arith.addi %mul3A_126, %add3A_134 : i32
        %mul3A_136 = arith.constant 4096 : i32
        %mul3A_137 = arith.muli %add3A_135, %mul3A_136 : i32
        %dma_start3A_138 = tpu.memref_slice %arg3[%mul3A_137] : memref<204800xi32, #tpu.memory_space<hbm>> -> memref<4096xi32, #tpu.memory_space<hbm>>
        %dma_start3A_139 = tpu.memref_slice %arg3[%mul3A_137] : memref<204800xi32, #tpu.memory_space<hbm>> -> memref<4096xi32, #tpu.memory_space<hbm>>
        tpu.enqueue_dma source(%dma_start3A_139 : memref<4096xi32, #tpu.memory_space<hbm>>) target(%arg6 : memref<4096xi32, #tpu.memory_space<vmem>>) target_semaphore(%arg10 : memref<!tpu.dma_semaphore, #tpu.memory_space<semaphore_mem>>)
        %dma_wait3A_140 = arith.constant 0 : i32
        %dma_wait3A_141 = tpu.memref_slice %arg3[%dma_wait3A_140] : memref<204800xi32, #tpu.memory_space<hbm>> -> memref<4096xi32, #tpu.memory_space<hbm>>
        %dma_wait3A_142 = arith.constant 0 : i32
        %dma_wait3A_143 = tpu.memref_slice %arg3[%dma_wait3A_142] : memref<204800xi32, #tpu.memory_space<hbm>> -> memref<4096xi32, #tpu.memory_space<hbm>>
        tpu.wait_dma2 semaphore(%arg11 : memref<!tpu.dma_semaphore, #tpu.memory_space<semaphore_mem>>) src(%dma_wait3A_143 : memref<4096xi32, #tpu.memory_space<hbm>>) dst(%arg7 : memref<4096xi32, #tpu.memory_space<vmem>>)
        %parallel_loop3A_144 = arith.constant 0 : i32
        %parallel_loop3A_145 = arith.constant 32 : i32
        %parallel_loop3A_146 = arith.constant 1 : i32
        scf.for %parallel_loop3A_206 = %parallel_loop3A_144 to %parallel_loop3A_145 step %parallel_loop3A_146  : i32 {
          %parallel_loop3A_207 = arith.constant 128 : i32
          %parallel_loop3A_208 = arith.muli %parallel_loop3A_206, %parallel_loop3A_207 : i32
          %parallel_loop3A_209 = arith.constant 0 : i32
          %parallel_loop3A_210 = arith.addi %parallel_loop3A_208, %parallel_loop3A_209 : i32
          %parallel_loop3A_211 = arith.index_cast %parallel_loop3A_210 : i32 to index
          %parallel_loop3A_212 = tpu.vector_load %arg7[%parallel_loop3A_211] {strides = array<i32>} : memref<4096xi32, #tpu.memory_space<vmem>>, vector<16xi32>,
          %parallel_loop3A_213 = tpu.vector_load_idx %arg5[%broadcast_in_dim3A_1, %parallel_loop3A_212] : memref<1x100000xf32, #tpu.memory_space<vmem>>[vector<16xi32>, vector<16xi32>], vector<16xf32>,
          %parallel_loop3A_214 = arith.constant 1 : i32
          %parallel_loop3A_215 = arith.index_cast %parallel_loop3A_214 : i32 to index
          %parallel_loop3A_216 = arith.index_cast %parallel_loop3A_206 : i32 to index
          %parallel_loop3A_217 = arith.constant 0 : index
          %parallel_loop3A_218 = tpu.vector_load %arg8[%parallel_loop3A_215, %parallel_loop3A_216, %parallel_loop3A_217] {strides = array<i32>} : memref<2x32x128xf32, #tpu.memory_space<vmem>>, vector<16xf32>,
          tpu.vector_store %arg8[%parallel_loop3A_215, %parallel_loop3A_216, %parallel_loop3A_217], %parallel_loop3A_213 {strides = array<i32>} : memref<2x32x128xf32, #tpu.memory_space<vmem>>, vector<16xf32>,
          %parallel_loop3A_219 = arith.constant 128 : i32
          %parallel_loop3A_220 = arith.muli %parallel_loop3A_206, %parallel_loop3A_219 : i32
          %parallel_loop3A_221 = arith.constant 16 : i32
          %parallel_loop3A_222 = arith.addi %parallel_loop3A_220, %parallel_loop3A_221 : i32
          %parallel_loop3A_223 = arith.index_cast %parallel_loop3A_222 : i32 to index
          %parallel_loop3A_224 = tpu.vector_load %arg7[%parallel_loop3A_223] {strides = array<i32>} : memref<4096xi32, #tpu.memory_space<vmem>>, vector<16xi32>,
          %parallel_loop3A_225 = tpu.vector_load_idx %arg5[%broadcast_in_dim3A_1, %parallel_loop3A_224] : memref<1x100000xf32, #tpu.memory_space<vmem>>[vector<16xi32>, vector<16xi32>], vector<16xf32>,
          %parallel_loop3A_226 = arith.constant 1 : i32
          %parallel_loop3A_227 = arith.index_cast %parallel_loop3A_226 : i32 to index
          %parallel_loop3A_228 = arith.index_cast %parallel_loop3A_206 : i32 to index
          %parallel_loop3A_229 = arith.constant 16 : index
          %parallel_loop3A_230 = tpu.vector_load %arg8[%parallel_loop3A_227, %parallel_loop3A_228, %parallel_loop3A_229] {strides = array<i32>} : memref<2x32x128xf32, #tpu.memory_space<vmem>>, vector<16xf32>,
          tpu.vector_store %arg8[%parallel_loop3A_227, %parallel_loop3A_228, %parallel_loop3A_229], %parallel_loop3A_225 {strides = array<i32>} : memref<2x32x128xf32, #tpu.memory_space<vmem>>, vector<16xf32>,
          %parallel_loop3A_231 = arith.constant 128 : i32
          %parallel_loop3A_232 = arith.muli %parallel_loop3A_206, %parallel_loop3A_231 : i32
          %parallel_loop3A_233 = arith.constant 32 : i32
          %parallel_loop3A_234 = arith.addi %parallel_loop3A_232, %parallel_loop3A_233 : i32
          %parallel_loop3A_235 = arith.index_cast %parallel_loop3A_234 : i32 to index
          %parallel_loop3A_236 = tpu.vector_load %arg7[%parallel_loop3A_235] {strides = array<i32>} : memref<4096xi32, #tpu.memory_space<vmem>>, vector<16xi32>,
          %parallel_loop3A_237 = tpu.vector_load_idx %arg5[%broadcast_in_dim3A_1, %parallel_loop3A_236] : memref<1x100000xf32, #tpu.memory_space<vmem>>[vector<16xi32>, vector<16xi32>], vector<16xf32>,
          %parallel_loop3A_238 = arith.constant 1 : i32
          %parallel_loop3A_239 = arith.index_cast %parallel_loop3A_238 : i32 to index
          %parallel_loop3A_240 = arith.index_cast %parallel_loop3A_206 : i32 to index
          %parallel_loop3A_241 = arith.constant 32 : index
          %parallel_loop3A_242 = tpu.vector_load %arg8[%parallel_loop3A_239, %parallel_loop3A_240, %parallel_loop3A_241] {strides = array<i32>} : memref<2x32x128xf32, #tpu.memory_space<vmem>>, vector<16xf32>,
          tpu.vector_store %arg8[%parallel_loop3A_239, %parallel_loop3A_240, %parallel_loop3A_241], %parallel_loop3A_237 {strides = array<i32>} : memref<2x32x128xf32, #tpu.memory_space<vmem>>, vector<16xf32>,
          %parallel_loop3A_243 = arith.constant 128 : i32
          %parallel_loop3A_244 = arith.muli %parallel_loop3A_206, %parallel_loop3A_243 : i32
          %parallel_loop3A_245 = arith.constant 48 : i32
          %parallel_loop3A_246 = arith.addi %parallel_loop3A_244, %parallel_loop3A_245 : i32
          %parallel_loop3A_247 = arith.index_cast %parallel_loop3A_246 : i32 to index
          %parallel_loop3A_248 = tpu.vector_load %arg7[%parallel_loop3A_247] {strides = array<i32>} : memref<4096xi32, #tpu.memory_space<vmem>>, vector<16xi32>,
          %parallel_loop3A_249 = tpu.vector_load_idx %arg5[%broadcast_in_dim3A_1, %parallel_loop3A_248] : memref<1x100000xf32, #tpu.memory_space<vmem>>[vector<16xi32>, vector<16xi32>], vector<16xf32>,
          %parallel_loop3A_250 = arith.constant 1 : i32
          %parallel_loop3A_251 = arith.index_cast %parallel_loop3A_250 : i32 to index
          %parallel_loop3A_252 = arith.index_cast %parallel_loop3A_206 : i32 to index
          %parallel_loop3A_253 = arith.constant 48 : index
          %parallel_loop3A_254 = tpu.vector_load %arg8[%parallel_loop3A_251, %parallel_loop3A_252, %parallel_loop3A_253] {strides = array<i32>} : memref<2x32x128xf32, #tpu.memory_space<vmem>>, vector<16xf32>,
          tpu.vector_store %arg8[%parallel_loop3A_251, %parallel_loop3A_252, %parallel_loop3A_253], %parallel_loop3A_249 {strides = array<i32>} : memref<2x32x128xf32, #tpu.memory_space<vmem>>, vector<16xf32>,
          %parallel_loop3A_255 = arith.constant 128 : i32
          %parallel_loop3A_256 = arith.muli %parallel_loop3A_206, %parallel_loop3A_255 : i32
          %parallel_loop3A_257 = arith.constant 64 : i32
          %parallel_loop3A_258 = arith.addi %parallel_loop3A_256, %parallel_loop3A_257 : i32
          %parallel_loop3A_259 = arith.index_cast %parallel_loop3A_258 : i32 to index
          %parallel_loop3A_260 = tpu.vector_load %arg7[%parallel_loop3A_259] {strides = array<i32>} : memref<4096xi32, #tpu.memory_space<vmem>>, vector<16xi32>,
          %parallel_loop3A_261 = tpu.vector_load_idx %arg5[%broadcast_in_dim3A_1, %parallel_loop3A_260] : memref<1x100000xf32, #tpu.memory_space<vmem>>[vector<16xi32>, vector<16xi32>], vector<16xf32>,
          %parallel_loop3A_262 = arith.constant 1 : i32
          %parallel_loop3A_263 = arith.index_cast %parallel_loop3A_262 : i32 to index
          %parallel_loop3A_264 = arith.index_cast %parallel_loop3A_206 : i32 to index
          %parallel_loop3A_265 = arith.constant 64 : index
          %parallel_loop3A_266 = tpu.vector_load %arg8[%parallel_loop3A_263, %parallel_loop3A_264, %parallel_loop3A_265] {strides = array<i32>} : memref<2x32x128xf32, #tpu.memory_space<vmem>>, vector<16xf32>,
          tpu.vector_store %arg8[%parallel_loop3A_263, %parallel_loop3A_264, %parallel_loop3A_265], %parallel_loop3A_261 {strides = array<i32>} : memref<2x32x128xf32, #tpu.memory_space<vmem>>, vector<16xf32>,
          %parallel_loop3A_267 = arith.constant 128 : i32
          %parallel_loop3A_268 = arith.muli %parallel_loop3A_206, %parallel_loop3A_267 : i32
          %parallel_loop3A_269 = arith.constant 80 : i32
          %parallel_loop3A_270 = arith.addi %parallel_loop3A_268, %parallel_loop3A_269 : i32
          %parallel_loop3A_271 = arith.index_cast %parallel_loop3A_270 : i32 to index
          %parallel_loop3A_272 = tpu.vector_load %arg7[%parallel_loop3A_271] {strides = array<i32>} : memref<4096xi32, #tpu.memory_space<vmem>>, vector<16xi32>,
          %parallel_loop3A_273 = tpu.vector_load_idx %arg5[%broadcast_in_dim3A_1, %parallel_loop3A_272] : memref<1x100000xf32, #tpu.memory_space<vmem>>[vector<16xi32>, vector<16xi32>], vector<16xf32>,
          %parallel_loop3A_274 = arith.constant 1 : i32
          %parallel_loop3A_275 = arith.index_cast %parallel_loop3A_274 : i32 to index
          %parallel_loop3A_276 = arith.index_cast %parallel_loop3A_206 : i32 to index
          %parallel_loop3A_277 = arith.constant 80 : index
          %parallel_loop3A_278 = tpu.vector_load %arg8[%parallel_loop3A_275, %parallel_loop3A_276, %parallel_loop3A_277] {strides = array<i32>} : memref<2x32x128xf32, #tpu.memory_space<vmem>>, vector<16xf32>,
          tpu.vector_store %arg8[%parallel_loop3A_275, %parallel_loop3A_276, %parallel_loop3A_277], %parallel_loop3A_273 {strides = array<i32>} : memref<2x32x128xf32, #tpu.memory_space<vmem>>, vector<16xf32>,
          %parallel_loop3A_279 = arith.constant 128 : i32
          %parallel_loop3A_280 = arith.muli %parallel_loop3A_206, %parallel_loop3A_279 : i32
          %parallel_loop3A_281 = arith.constant 96 : i32
          %parallel_loop3A_282 = arith.addi %parallel_loop3A_280, %parallel_loop3A_281 : i32
          %parallel_loop3A_283 = arith.index_cast %parallel_loop3A_282 : i32 to index
          %parallel_loop3A_284 = tpu.vector_load %arg7[%parallel_loop3A_283] {strides = array<i32>} : memref<4096xi32, #tpu.memory_space<vmem>>, vector<16xi32>,
          %parallel_loop3A_285 = tpu.vector_load_idx %arg5[%broadcast_in_dim3A_1, %parallel_loop3A_284] : memref<1x100000xf32, #tpu.memory_space<vmem>>[vector<16xi32>, vector<16xi32>], vector<16xf32>,
          %parallel_loop3A_286 = arith.constant 1 : i32
          %parallel_loop3A_287 = arith.index_cast %parallel_loop3A_286 : i32 to index
          %parallel_loop3A_288 = arith.index_cast %parallel_loop3A_206 : i32 to index
          %parallel_loop3A_289 = arith.constant 96 : index
          %parallel_loop3A_290 = tpu.vector_load %arg8[%parallel_loop3A_287, %parallel_loop3A_288, %parallel_loop3A_289] {strides = array<i32>} : memref<2x32x128xf32, #tpu.memory_space<vmem>>, vector<16xf32>,
          tpu.vector_store %arg8[%parallel_loop3A_287, %parallel_loop3A_288, %parallel_loop3A_289], %parallel_loop3A_285 {strides = array<i32>} : memref<2x32x128xf32, #tpu.memory_space<vmem>>, vector<16xf32>,
          %parallel_loop3A_291 = arith.constant 128 : i32
          %parallel_loop3A_292 = arith.muli %parallel_loop3A_206, %parallel_loop3A_291 : i32
          %parallel_loop3A_293 = arith.constant 112 : i32
          %parallel_loop3A_294 = arith.addi %parallel_loop3A_292, %parallel_loop3A_293 : i32
          %parallel_loop3A_295 = arith.index_cast %parallel_loop3A_294 : i32 to index
          %parallel_loop3A_296 = tpu.vector_load %arg7[%parallel_loop3A_295] {strides = array<i32>} : memref<4096xi32, #tpu.memory_space<vmem>>, vector<16xi32>,
          %parallel_loop3A_297 = tpu.vector_load_idx %arg5[%broadcast_in_dim3A_1, %parallel_loop3A_296] : memref<1x100000xf32, #tpu.memory_space<vmem>>[vector<16xi32>, vector<16xi32>], vector<16xf32>,
          %parallel_loop3A_298 = arith.constant 1 : i32
          %parallel_loop3A_299 = arith.index_cast %parallel_loop3A_298 : i32 to index
          %parallel_loop3A_300 = arith.index_cast %parallel_loop3A_206 : i32 to index
          %parallel_loop3A_301 = arith.constant 112 : index
          %parallel_loop3A_302 = tpu.vector_load %arg8[%parallel_loop3A_299, %parallel_loop3A_300, %parallel_loop3A_301] {strides = array<i32>} : memref<2x32x128xf32, #tpu.memory_space<vmem>>, vector<16xf32>,
          tpu.vector_store %arg8[%parallel_loop3A_299, %parallel_loop3A_300, %parallel_loop3A_301], %parallel_loop3A_297 {strides = array<i32>} : memref<2x32x128xf32, #tpu.memory_space<vmem>>, vector<16xf32>,
        } {sc.loop_unroll_factor = 1 : i64, sc.parallel_access}
        %add3A_147 = arith.constant 3 : i32
        %add3A_148 = arith.addi %mul3A_126, %add3A_147 : i32
        %mul3A_149 = arith.constant 4096 : i32
        %mul3A_150 = arith.muli %add3A_148, %mul3A_149 : i32
        %dma_start3A_151 = tpu.memref_slice %arg3[%mul3A_150] : memref<204800xi32, #tpu.memory_space<hbm>> -> memref<4096xi32, #tpu.memory_space<hbm>>
        %dma_start3A_152 = tpu.memref_slice %arg3[%mul3A_150] : memref<204800xi32, #tpu.memory_space<hbm>> -> memref<4096xi32, #tpu.memory_space<hbm>>
        tpu.enqueue_dma source(%dma_start3A_152 : memref<4096xi32, #tpu.memory_space<hbm>>) target(%arg7 : memref<4096xi32, #tpu.memory_space<vmem>>) target_semaphore(%arg11 : memref<!tpu.dma_semaphore, #tpu.memory_space<semaphore_mem>>)
        %dma_start3A_153 = arith.constant 0 : i32
        %dma_start3A_154 = arith.constant 0 : i32
        %dma_start3A_155 = tpu.memref_slice %arg4[%mul3A_126, %select_n3A, %dma_start3A_153, %select_n3A_43, %dma_start3A_154] : memref<50x8x32x8x128xf32, #tpu.memory_space<hbm>> -> memref<2x1x32x1x128xf32, #tpu.memory_space<hbm>>
        %dma_start3A_156 = tpu.memref_squeeze %dma_start3A_155 : memref<2x1x32x1x128xf32, #tpu.memory_space<hbm>> -> memref<2x32x128xf32, #tpu.memory_space<hbm>>
        %dma_start3A_157 = arith.constant 0 : i32
        %dma_start3A_158 = arith.constant 0 : i32
        %dma_start3A_159 = tpu.memref_slice %arg4[%mul3A_126, %select_n3A, %dma_start3A_157, %select_n3A_43, %dma_start3A_158] : memref<50x8x32x8x128xf32, #tpu.memory_space<hbm>> -> memref<2x1x32x1x128xf32, #tpu.memory_space<hbm>>
        %dma_start3A_160 = tpu.memref_squeeze %dma_start3A_159 : memref<2x1x32x1x128xf32, #tpu.memory_space<hbm>> -> memref<2x32x128xf32, #tpu.memory_space<hbm>>
        tpu.enqueue_dma source(%arg8 : memref<2x32x128xf32, #tpu.memory_space<vmem>>) target(%dma_start3A_160 : memref<2x32x128xf32, #tpu.memory_space<hbm>>) target_semaphore(%arg12 : memref<!tpu.dma_semaphore, #tpu.memory_space<semaphore_mem>>)
        %mul3A_161 = arith.constant 2 : i32
        %mul3A_162 = arith.muli %mul3A_161, %add3A_118 : i32
        %add3A_163 = arith.constant 1 : i32
        %add3A_164 = arith.addi %mul3A_162, %add3A_163 : i32
        %ge3A_165 = arith.constant 1 : i32
        %ge3A_166 = arith.cmpi sge, %add3A_118, %ge3A_165 : i32
        %convert_element_type3A_167 = arith.extui %ge3A_166 : i1 to i32
        %cond3A_168 = arith.constant 0 : i32
        %cond3A_169 = arith.cmpi ne, %convert_element_type3A_167, %cond3A_168 : i32
        scf.if %cond3A_169 {
          %dma_wait3A_206 = arith.constant 0 : i32
          %dma_wait3A_207 = arith.constant 0 : i32
          %dma_wait3A_208 = arith.constant 0 : i32
          %dma_wait3A_209 = arith.constant 0 : i32
          %dma_wait3A_210 = arith.constant 0 : i32
          %dma_wait3A_211 = tpu.memref_slice %arg4[%dma_wait3A_208, %dma_wait3A_206, %dma_wait3A_209, %dma_wait3A_207, %dma_wait3A_210] : memref<50x8x32x8x128xf32, #tpu.memory_space<hbm>> -> memref<2x1x32x1x128xf32, #tpu.memory_space<hbm>>
          %dma_wait3A_212 = tpu.memref_squeeze %dma_wait3A_211 : memref<2x1x32x1x128xf32, #tpu.memory_space<hbm>> -> memref<2x32x128xf32, #tpu.memory_space<hbm>>
          %dma_wait3A_213 = arith.constant 0 : i32
          %dma_wait3A_214 = arith.constant 0 : i32
          %dma_wait3A_215 = arith.constant 0 : i32
          %dma_wait3A_216 = tpu.memref_slice %arg4[%dma_wait3A_213, %dma_wait3A_206, %dma_wait3A_214, %dma_wait3A_207, %dma_wait3A_215] : memref<50x8x32x8x128xf32, #tpu.memory_space<hbm>> -> memref<2x1x32x1x128xf32, #tpu.memory_space<hbm>>
          %dma_wait3A_217 = tpu.memref_squeeze %dma_wait3A_216 : memref<2x1x32x1x128xf32, #tpu.memory_space<hbm>> -> memref<2x32x128xf32, #tpu.memory_space<hbm>>
          tpu.wait_dma2 semaphore(%arg13 : memref<!tpu.dma_semaphore, #tpu.memory_space<semaphore_mem>>) src(%arg9 : memref<2x32x128xf32, #tpu.memory_space<vmem>>) dst(%dma_wait3A_217 : memref<2x32x128xf32, #tpu.memory_space<hbm>>)
        } else {
        }
        %mul3A_170 = arith.constant 2 : i32
        %mul3A_171 = arith.muli %mul3A_170, %add3A_164 : i32
        %dma_wait3A_172 = arith.constant 0 : i32
        %dma_wait3A_173 = tpu.memref_slice %arg3[%dma_wait3A_172] : memref<204800xi32, #tpu.memory_space<hbm>> -> memref<4096xi32, #tpu.memory_space<hbm>>
        %dma_wait3A_174 = arith.constant 0 : i32
        %dma_wait3A_175 = tpu.memref_slice %arg3[%dma_wait3A_174] : memref<204800xi32, #tpu.memory_space<hbm>> -> memref<4096xi32, #tpu.memory_space<hbm>>
        tpu.wait_dma2 semaphore(%arg10 : memref<!tpu.dma_semaphore, #tpu.memory_space<semaphore_mem>>) src(%dma_wait3A_175 : memref<4096xi32, #tpu.memory_space<hbm>>) dst(%arg6 : memref<4096xi32, #tpu.memory_space<vmem>>)
        %parallel_loop3A_176 = arith.constant 0 : i32
        %parallel_loop3A_177 = arith.constant 32 : i32
        %parallel_loop3A_178 = arith.constant 1 : i32
        scf.for %parallel_loop3A_206 = %parallel_loop3A_176 to %parallel_loop3A_177 step %parallel_loop3A_178  : i32 {
          %parallel_loop3A_207 = arith.constant 128 : i32
          %parallel_loop3A_208 = arith.muli %parallel_loop3A_206, %parallel_loop3A_207 : i32
          %parallel_loop3A_209 = arith.constant 0 : i32
          %parallel_loop3A_210 = arith.addi %parallel_loop3A_208, %parallel_loop3A_209 : i32
          %parallel_loop3A_211 = arith.index_cast %parallel_loop3A_210 : i32 to index
          %parallel_loop3A_212 = tpu.vector_load %arg6[%parallel_loop3A_211] {strides = array<i32>} : memref<4096xi32, #tpu.memory_space<vmem>>, vector<16xi32>,
          %parallel_loop3A_213 = tpu.vector_load_idx %arg5[%broadcast_in_dim3A_1, %parallel_loop3A_212] : memref<1x100000xf32, #tpu.memory_space<vmem>>[vector<16xi32>, vector<16xi32>], vector<16xf32>,
          %parallel_loop3A_214 = arith.constant 0 : i32
          %parallel_loop3A_215 = arith.index_cast %parallel_loop3A_214 : i32 to index
          %parallel_loop3A_216 = arith.index_cast %parallel_loop3A_206 : i32 to index
          %parallel_loop3A_217 = arith.constant 0 : index
          %parallel_loop3A_218 = tpu.vector_load %arg9[%parallel_loop3A_215, %parallel_loop3A_216, %parallel_loop3A_217] {strides = array<i32>} : memref<2x32x128xf32, #tpu.memory_space<vmem>>, vector<16xf32>,
          tpu.vector_store %arg9[%parallel_loop3A_215, %parallel_loop3A_216, %parallel_loop3A_217], %parallel_loop3A_213 {strides = array<i32>} : memref<2x32x128xf32, #tpu.memory_space<vmem>>, vector<16xf32>,
          %parallel_loop3A_219 = arith.constant 128 : i32
          %parallel_loop3A_220 = arith.muli %parallel_loop3A_206, %parallel_loop3A_219 : i32
          %parallel_loop3A_221 = arith.constant 16 : i32
          %parallel_loop3A_222 = arith.addi %parallel_loop3A_220, %parallel_loop3A_221 : i32
          %parallel_loop3A_223 = arith.index_cast %parallel_loop3A_222 : i32 to index
          %parallel_loop3A_224 = tpu.vector_load %arg6[%parallel_loop3A_223] {strides = array<i32>} : memref<4096xi32, #tpu.memory_space<vmem>>, vector<16xi32>,
          %parallel_loop3A_225 = tpu.vector_load_idx %arg5[%broadcast_in_dim3A_1, %parallel_loop3A_224] : memref<1x100000xf32, #tpu.memory_space<vmem>>[vector<16xi32>, vector<16xi32>], vector<16xf32>,
          %parallel_loop3A_226 = arith.constant 0 : i32
          %parallel_loop3A_227 = arith.index_cast %parallel_loop3A_226 : i32 to index
          %parallel_loop3A_228 = arith.index_cast %parallel_loop3A_206 : i32 to index
          %parallel_loop3A_229 = arith.constant 16 : index
          %parallel_loop3A_230 = tpu.vector_load %arg9[%parallel_loop3A_227, %parallel_loop3A_228, %parallel_loop3A_229] {strides = array<i32>} : memref<2x32x128xf32, #tpu.memory_space<vmem>>, vector<16xf32>,
          tpu.vector_store %arg9[%parallel_loop3A_227, %parallel_loop3A_228, %parallel_loop3A_229], %parallel_loop3A_225 {strides = array<i32>} : memref<2x32x128xf32, #tpu.memory_space<vmem>>, vector<16xf32>,
          %parallel_loop3A_231 = arith.constant 128 : i32
          %parallel_loop3A_232 = arith.muli %parallel_loop3A_206, %parallel_loop3A_231 : i32
          %parallel_loop3A_233 = arith.constant 32 : i32
          %parallel_loop3A_234 = arith.addi %parallel_loop3A_232, %parallel_loop3A_233 : i32
          %parallel_loop3A_235 = arith.index_cast %parallel_loop3A_234 : i32 to index
          %parallel_loop3A_236 = tpu.vector_load %arg6[%parallel_loop3A_235] {strides = array<i32>} : memref<4096xi32, #tpu.memory_space<vmem>>, vector<16xi32>,
          %parallel_loop3A_237 = tpu.vector_load_idx %arg5[%broadcast_in_dim3A_1, %parallel_loop3A_236] : memref<1x100000xf32, #tpu.memory_space<vmem>>[vector<16xi32>, vector<16xi32>], vector<16xf32>,
          %parallel_loop3A_238 = arith.constant 0 : i32
          %parallel_loop3A_239 = arith.index_cast %parallel_loop3A_238 : i32 to index
          %parallel_loop3A_240 = arith.index_cast %parallel_loop3A_206 : i32 to index
          %parallel_loop3A_241 = arith.constant 32 : index
          %parallel_loop3A_242 = tpu.vector_load %arg9[%parallel_loop3A_239, %parallel_loop3A_240, %parallel_loop3A_241] {strides = array<i32>} : memref<2x32x128xf32, #tpu.memory_space<vmem>>, vector<16xf32>,
          tpu.vector_store %arg9[%parallel_loop3A_239, %parallel_loop3A_240, %parallel_loop3A_241], %parallel_loop3A_237 {strides = array<i32>} : memref<2x32x128xf32, #tpu.memory_space<vmem>>, vector<16xf32>,
          %parallel_loop3A_243 = arith.constant 128 : i32
          %parallel_loop3A_244 = arith.muli %parallel_loop3A_206, %parallel_loop3A_243 : i32
          %parallel_loop3A_245 = arith.constant 48 : i32
          %parallel_loop3A_246 = arith.addi %parallel_loop3A_244, %parallel_loop3A_245 : i32
          %parallel_loop3A_247 = arith.index_cast %parallel_loop3A_246 : i32 to index
          %parallel_loop3A_248 = tpu.vector_load %arg6[%parallel_loop3A_247] {strides = array<i32>} : memref<4096xi32, #tpu.memory_space<vmem>>, vector<16xi32>,
          %parallel_loop3A_249 = tpu.vector_load_idx %arg5[%broadcast_in_dim3A_1, %parallel_loop3A_248] : memref<1x100000xf32, #tpu.memory_space<vmem>>[vector<16xi32>, vector<16xi32>], vector<16xf32>,
          %parallel_loop3A_250 = arith.constant 0 : i32
          %parallel_loop3A_251 = arith.index_cast %parallel_loop3A_250 : i32 to index
          %parallel_loop3A_252 = arith.index_cast %parallel_loop3A_206 : i32 to index
          %parallel_loop3A_253 = arith.constant 48 : index
          %parallel_loop3A_254 = tpu.vector_load %arg9[%parallel_loop3A_251, %parallel_loop3A_252, %parallel_loop3A_253] {strides = array<i32>} : memref<2x32x128xf32, #tpu.memory_space<vmem>>, vector<16xf32>,
          tpu.vector_store %arg9[%parallel_loop3A_251, %parallel_loop3A_252, %parallel_loop3A_253], %parallel_loop3A_249 {strides = array<i32>} : memref<2x32x128xf32, #tpu.memory_space<vmem>>, vector<16xf32>,
          %parallel_loop3A_255 = arith.constant 128 : i32
          %parallel_loop3A_256 = arith.muli %parallel_loop3A_206, %parallel_loop3A_255 : i32
          %parallel_loop3A_257 = arith.constant 64 : i32
          %parallel_loop3A_258 = arith.addi %parallel_loop3A_256, %parallel_loop3A_257 : i32
          %parallel_loop3A_259 = arith.index_cast %parallel_loop3A_258 : i32 to index
          %parallel_loop3A_260 = tpu.vector_load %arg6[%parallel_loop3A_259] {strides = array<i32>} : memref<4096xi32, #tpu.memory_space<vmem>>, vector<16xi32>,
          %parallel_loop3A_261 = tpu.vector_load_idx %arg5[%broadcast_in_dim3A_1, %parallel_loop3A_260] : memref<1x100000xf32, #tpu.memory_space<vmem>>[vector<16xi32>, vector<16xi32>], vector<16xf32>,
          %parallel_loop3A_262 = arith.constant 0 : i32
          %parallel_loop3A_263 = arith.index_cast %parallel_loop3A_262 : i32 to index
          %parallel_loop3A_264 = arith.index_cast %parallel_loop3A_206 : i32 to index
          %parallel_loop3A_265 = arith.constant 64 : index
          %parallel_loop3A_266 = tpu.vector_load %arg9[%parallel_loop3A_263, %parallel_loop3A_264, %parallel_loop3A_265] {strides = array<i32>} : memref<2x32x128xf32, #tpu.memory_space<vmem>>, vector<16xf32>,
          tpu.vector_store %arg9[%parallel_loop3A_263, %parallel_loop3A_264, %parallel_loop3A_265], %parallel_loop3A_261 {strides = array<i32>} : memref<2x32x128xf32, #tpu.memory_space<vmem>>, vector<16xf32>,
          %parallel_loop3A_267 = arith.constant 128 : i32
          %parallel_loop3A_268 = arith.muli %parallel_loop3A_206, %parallel_loop3A_267 : i32
          %parallel_loop3A_269 = arith.constant 80 : i32
          %parallel_loop3A_270 = arith.addi %parallel_loop3A_268, %parallel_loop3A_269 : i32
          %parallel_loop3A_271 = arith.index_cast %parallel_loop3A_270 : i32 to index
          %parallel_loop3A_272 = tpu.vector_load %arg6[%parallel_loop3A_271] {strides = array<i32>} : memref<4096xi32, #tpu.memory_space<vmem>>, vector<16xi32>,
          %parallel_loop3A_273 = tpu.vector_load_idx %arg5[%broadcast_in_dim3A_1, %parallel_loop3A_272] : memref<1x100000xf32, #tpu.memory_space<vmem>>[vector<16xi32>, vector<16xi32>], vector<16xf32>,
          %parallel_loop3A_274 = arith.constant 0 : i32
          %parallel_loop3A_275 = arith.index_cast %parallel_loop3A_274 : i32 to index
          %parallel_loop3A_276 = arith.index_cast %parallel_loop3A_206 : i32 to index
          %parallel_loop3A_277 = arith.constant 80 : index
          %parallel_loop3A_278 = tpu.vector_load %arg9[%parallel_loop3A_275, %parallel_loop3A_276, %parallel_loop3A_277] {strides = array<i32>} : memref<2x32x128xf32, #tpu.memory_space<vmem>>, vector<16xf32>,
          tpu.vector_store %arg9[%parallel_loop3A_275, %parallel_loop3A_276, %parallel_loop3A_277], %parallel_loop3A_273 {strides = array<i32>} : memref<2x32x128xf32, #tpu.memory_space<vmem>>, vector<16xf32>,
          %parallel_loop3A_279 = arith.constant 128 : i32
          %parallel_loop3A_280 = arith.muli %parallel_loop3A_206, %parallel_loop3A_279 : i32
          %parallel_loop3A_281 = arith.constant 96 : i32
          %parallel_loop3A_282 = arith.addi %parallel_loop3A_280, %parallel_loop3A_281 : i32
          %parallel_loop3A_283 = arith.index_cast %parallel_loop3A_282 : i32 to index
          %parallel_loop3A_284 = tpu.vector_load %arg6[%parallel_loop3A_283] {strides = array<i32>} : memref<4096xi32, #tpu.memory_space<vmem>>, vector<16xi32>,
          %parallel_loop3A_285 = tpu.vector_load_idx %arg5[%broadcast_in_dim3A_1, %parallel_loop3A_284] : memref<1x100000xf32, #tpu.memory_space<vmem>>[vector<16xi32>, vector<16xi32>], vector<16xf32>,
          %parallel_loop3A_286 = arith.constant 0 : i32
          %parallel_loop3A_287 = arith.index_cast %parallel_loop3A_286 : i32 to index
          %parallel_loop3A_288 = arith.index_cast %parallel_loop3A_206 : i32 to index
          %parallel_loop3A_289 = arith.constant 96 : index
          %parallel_loop3A_290 = tpu.vector_load %arg9[%parallel_loop3A_287, %parallel_loop3A_288, %parallel_loop3A_289] {strides = array<i32>} : memref<2x32x128xf32, #tpu.memory_space<vmem>>, vector<16xf32>,
          tpu.vector_store %arg9[%parallel_loop3A_287, %parallel_loop3A_288, %parallel_loop3A_289], %parallel_loop3A_285 {strides = array<i32>} : memref<2x32x128xf32, #tpu.memory_space<vmem>>, vector<16xf32>,
          %parallel_loop3A_291 = arith.constant 128 : i32
          %parallel_loop3A_292 = arith.muli %parallel_loop3A_206, %parallel_loop3A_291 : i32
          %parallel_loop3A_293 = arith.constant 112 : i32
          %parallel_loop3A_294 = arith.addi %parallel_loop3A_292, %parallel_loop3A_293 : i32
          %parallel_loop3A_295 = arith.index_cast %parallel_loop3A_294 : i32 to index
          %parallel_loop3A_296 = tpu.vector_load %arg6[%parallel_loop3A_295] {strides = array<i32>} : memref<4096xi32, #tpu.memory_space<vmem>>, vector<16xi32>,
          %parallel_loop3A_297 = tpu.vector_load_idx %arg5[%broadcast_in_dim3A_1, %parallel_loop3A_296] : memref<1x100000xf32, #tpu.memory_space<vmem>>[vector<16xi32>, vector<16xi32>], vector<16xf32>,
          %parallel_loop3A_298 = arith.constant 0 : i32
          %parallel_loop3A_299 = arith.index_cast %parallel_loop3A_298 : i32 to index
          %parallel_loop3A_300 = arith.index_cast %parallel_loop3A_206 : i32 to index
          %parallel_loop3A_301 = arith.constant 112 : index
          %parallel_loop3A_302 = tpu.vector_load %arg9[%parallel_loop3A_299, %parallel_loop3A_300, %parallel_loop3A_301] {strides = array<i32>} : memref<2x32x128xf32, #tpu.memory_space<vmem>>, vector<16xf32>,
          tpu.vector_store %arg9[%parallel_loop3A_299, %parallel_loop3A_300, %parallel_loop3A_301], %parallel_loop3A_297 {strides = array<i32>} : memref<2x32x128xf32, #tpu.memory_space<vmem>>, vector<16xf32>,
        } {sc.loop_unroll_factor = 1 : i64, sc.parallel_access}
        %add3A_179 = arith.constant 2 : i32
        %add3A_180 = arith.addi %mul3A_171, %add3A_179 : i32
        %mul3A_181 = arith.constant 4096 : i32
        %mul3A_182 = arith.muli %add3A_180, %mul3A_181 : i32
        %dma_start3A_183 = tpu.memref_slice %arg3[%mul3A_182] : memref<204800xi32, #tpu.memory_space<hbm>> -> memref<4096xi32, #tpu.memory_space<hbm>>
        %dma_start3A_184 = tpu.memref_slice %arg3[%mul3A_182] : memref<204800xi32, #tpu.memory_space<hbm>> -> memref<4096xi32, #tpu.memory_space<hbm>>
        tpu.enqueue_dma source(%dma_start3A_184 : memref<4096xi32, #tpu.memory_space<hbm>>) target(%arg6 : memref<4096xi32, #tpu.memory_space<vmem>>) target_semaphore(%arg10 : memref<!tpu.dma_semaphore, #tpu.memory_space<semaphore_mem>>)
        %dma_wait3A_185 = arith.constant 0 : i32
        %dma_wait3A_186 = tpu.memref_slice %arg3[%dma_wait3A_185] : memref<204800xi32, #tpu.memory_space<hbm>> -> memref<4096xi32, #tpu.memory_space<hbm>>
        %dma_wait3A_187 = arith.constant 0 : i32
        %dma_wait3A_188 = tpu.memref_slice %arg3[%dma_wait3A_187] : memref<204800xi32, #tpu.memory_space<hbm>> -> memref<4096xi32, #tpu.memory_space<hbm>>
        tpu.wait_dma2 semaphore(%arg11 : memref<!tpu.dma_semaphore, #tpu.memory_space<semaphore_mem>>) src(%dma_wait3A_188 : memref<4096xi32, #tpu.memory_space<hbm>>) dst(%arg7 : memref<4096xi32, #tpu.memory_space<vmem>>)
        %parallel_loop3A_189 = arith.constant 0 : i32
        %parallel_loop3A_190 = arith.constant 32 : i32
        %parallel_loop3A_191 = arith.constant 1 : i32
        scf.for %parallel_loop3A_206 = %parallel_loop3A_189 to %parallel_loop3A_190 step %parallel_loop3A_191  : i32 {
          %parallel_loop3A_207 = arith.constant 128 : i32
          %parallel_loop3A_208 = arith.muli %parallel_loop3A_206, %parallel_loop3A_207 : i32
          %parallel_loop3A_209 = arith.constant 0 : i32
          %parallel_loop3A_210 = arith.addi %parallel_loop3A_208, %parallel_loop3A_209 : i32
          %parallel_loop3A_211 = arith.index_cast %parallel_loop3A_210 : i32 to index
          %parallel_loop3A_212 = tpu.vector_load %arg7[%parallel_loop3A_211] {strides = array<i32>} : memref<4096xi32, #tpu.memory_space<vmem>>, vector<16xi32>,
          %parallel_loop3A_213 = tpu.vector_load_idx %arg5[%broadcast_in_dim3A_1, %parallel_loop3A_212] : memref<1x100000xf32, #tpu.memory_space<vmem>>[vector<16xi32>, vector<16xi32>], vector<16xf32>,
          %parallel_loop3A_214 = arith.constant 1 : i32
          %parallel_loop3A_215 = arith.index_cast %parallel_loop3A_214 : i32 to index
          %parallel_loop3A_216 = arith.index_cast %parallel_loop3A_206 : i32 to index
          %parallel_loop3A_217 = arith.constant 0 : index
          %parallel_loop3A_218 = tpu.vector_load %arg9[%parallel_loop3A_215, %parallel_loop3A_216, %parallel_loop3A_217] {strides = array<i32>} : memref<2x32x128xf32, #tpu.memory_space<vmem>>, vector<16xf32>,
          tpu.vector_store %arg9[%parallel_loop3A_215, %parallel_loop3A_216, %parallel_loop3A_217], %parallel_loop3A_213 {strides = array<i32>} : memref<2x32x128xf32, #tpu.memory_space<vmem>>, vector<16xf32>,
          %parallel_loop3A_219 = arith.constant 128 : i32
          %parallel_loop3A_220 = arith.muli %parallel_loop3A_206, %parallel_loop3A_219 : i32
          %parallel_loop3A_221 = arith.constant 16 : i32
          %parallel_loop3A_222 = arith.addi %parallel_loop3A_220, %parallel_loop3A_221 : i32
          %parallel_loop3A_223 = arith.index_cast %parallel_loop3A_222 : i32 to index
          %parallel_loop3A_224 = tpu.vector_load %arg7[%parallel_loop3A_223] {strides = array<i32>} : memref<4096xi32, #tpu.memory_space<vmem>>, vector<16xi32>,
          %parallel_loop3A_225 = tpu.vector_load_idx %arg5[%broadcast_in_dim3A_1, %parallel_loop3A_224] : memref<1x100000xf32, #tpu.memory_space<vmem>>[vector<16xi32>, vector<16xi32>], vector<16xf32>,
          %parallel_loop3A_226 = arith.constant 1 : i32
          %parallel_loop3A_227 = arith.index_cast %parallel_loop3A_226 : i32 to index
          %parallel_loop3A_228 = arith.index_cast %parallel_loop3A_206 : i32 to index
          %parallel_loop3A_229 = arith.constant 16 : index
          %parallel_loop3A_230 = tpu.vector_load %arg9[%parallel_loop3A_227, %parallel_loop3A_228, %parallel_loop3A_229] {strides = array<i32>} : memref<2x32x128xf32, #tpu.memory_space<vmem>>, vector<16xf32>,
          tpu.vector_store %arg9[%parallel_loop3A_227, %parallel_loop3A_228, %parallel_loop3A_229], %parallel_loop3A_225 {strides = array<i32>} : memref<2x32x128xf32, #tpu.memory_space<vmem>>, vector<16xf32>,
          %parallel_loop3A_231 = arith.constant 128 : i32
          %parallel_loop3A_232 = arith.muli %parallel_loop3A_206, %parallel_loop3A_231 : i32
          %parallel_loop3A_233 = arith.constant 32 : i32
          %parallel_loop3A_234 = arith.addi %parallel_loop3A_232, %parallel_loop3A_233 : i32
          %parallel_loop3A_235 = arith.index_cast %parallel_loop3A_234 : i32 to index
          %parallel_loop3A_236 = tpu.vector_load %arg7[%parallel_loop3A_235] {strides = array<i32>} : memref<4096xi32, #tpu.memory_space<vmem>>, vector<16xi32>,
          %parallel_loop3A_237 = tpu.vector_load_idx %arg5[%broadcast_in_dim3A_1, %parallel_loop3A_236] : memref<1x100000xf32, #tpu.memory_space<vmem>>[vector<16xi32>, vector<16xi32>], vector<16xf32>,
          %parallel_loop3A_238 = arith.constant 1 : i32
          %parallel_loop3A_239 = arith.index_cast %parallel_loop3A_238 : i32 to index
          %parallel_loop3A_240 = arith.index_cast %parallel_loop3A_206 : i32 to index
          %parallel_loop3A_241 = arith.constant 32 : index
          %parallel_loop3A_242 = tpu.vector_load %arg9[%parallel_loop3A_239, %parallel_loop3A_240, %parallel_loop3A_241] {strides = array<i32>} : memref<2x32x128xf32, #tpu.memory_space<vmem>>, vector<16xf32>,
          tpu.vector_store %arg9[%parallel_loop3A_239, %parallel_loop3A_240, %parallel_loop3A_241], %parallel_loop3A_237 {strides = array<i32>} : memref<2x32x128xf32, #tpu.memory_space<vmem>>, vector<16xf32>,
          %parallel_loop3A_243 = arith.constant 128 : i32
          %parallel_loop3A_244 = arith.muli %parallel_loop3A_206, %parallel_loop3A_243 : i32
          %parallel_loop3A_245 = arith.constant 48 : i32
          %parallel_loop3A_246 = arith.addi %parallel_loop3A_244, %parallel_loop3A_245 : i32
          %parallel_loop3A_247 = arith.index_cast %parallel_loop3A_246 : i32 to index
          %parallel_loop3A_248 = tpu.vector_load %arg7[%parallel_loop3A_247] {strides = array<i32>} : memref<4096xi32, #tpu.memory_space<vmem>>, vector<16xi32>,
          %parallel_loop3A_249 = tpu.vector_load_idx %arg5[%broadcast_in_dim3A_1, %parallel_loop3A_248] : memref<1x100000xf32, #tpu.memory_space<vmem>>[vector<16xi32>, vector<16xi32>], vector<16xf32>,
          %parallel_loop3A_250 = arith.constant 1 : i32
          %parallel_loop3A_251 = arith.index_cast %parallel_loop3A_250 : i32 to index
          %parallel_loop3A_252 = arith.index_cast %parallel_loop3A_206 : i32 to index
          %parallel_loop3A_253 = arith.constant 48 : index
          %parallel_loop3A_254 = tpu.vector_load %arg9[%parallel_loop3A_251, %parallel_loop3A_252, %parallel_loop3A_253] {strides = array<i32>} : memref<2x32x128xf32, #tpu.memory_space<vmem>>, vector<16xf32>,
          tpu.vector_store %arg9[%parallel_loop3A_251, %parallel_loop3A_252, %parallel_loop3A_253], %parallel_loop3A_249 {strides = array<i32>} : memref<2x32x128xf32, #tpu.memory_space<vmem>>, vector<16xf32>,
          %parallel_loop3A_255 = arith.constant 128 : i32
          %parallel_loop3A_256 = arith.muli %parallel_loop3A_206, %parallel_loop3A_255 : i32
          %parallel_loop3A_257 = arith.constant 64 : i32
          %parallel_loop3A_258 = arith.addi %parallel_loop3A_256, %parallel_loop3A_257 : i32
          %parallel_loop3A_259 = arith.index_cast %parallel_loop3A_258 : i32 to index
          %parallel_loop3A_260 = tpu.vector_load %arg7[%parallel_loop3A_259] {strides = array<i32>} : memref<4096xi32, #tpu.memory_space<vmem>>, vector<16xi32>,
          %parallel_loop3A_261 = tpu.vector_load_idx %arg5[%broadcast_in_dim3A_1, %parallel_loop3A_260] : memref<1x100000xf32, #tpu.memory_space<vmem>>[vector<16xi32>, vector<16xi32>], vector<16xf32>,
          %parallel_loop3A_262 = arith.constant 1 : i32
          %parallel_loop3A_263 = arith.index_cast %parallel_loop3A_262 : i32 to index
          %parallel_loop3A_264 = arith.index_cast %parallel_loop3A_206 : i32 to index
          %parallel_loop3A_265 = arith.constant 64 : index
          %parallel_loop3A_266 = tpu.vector_load %arg9[%parallel_loop3A_263, %parallel_loop3A_264, %parallel_loop3A_265] {strides = array<i32>} : memref<2x32x128xf32, #tpu.memory_space<vmem>>, vector<16xf32>,
          tpu.vector_store %arg9[%parallel_loop3A_263, %parallel_loop3A_264, %parallel_loop3A_265], %parallel_loop3A_261 {strides = array<i32>} : memref<2x32x128xf32, #tpu.memory_space<vmem>>, vector<16xf32>,
          %parallel_loop3A_267 = arith.constant 128 : i32
          %parallel_loop3A_268 = arith.muli %parallel_loop3A_206, %parallel_loop3A_267 : i32
          %parallel_loop3A_269 = arith.constant 80 : i32
          %parallel_loop3A_270 = arith.addi %parallel_loop3A_268, %parallel_loop3A_269 : i32
          %parallel_loop3A_271 = arith.index_cast %parallel_loop3A_270 : i32 to index
          %parallel_loop3A_272 = tpu.vector_load %arg7[%parallel_loop3A_271] {strides = array<i32>} : memref<4096xi32, #tpu.memory_space<vmem>>, vector<16xi32>,
          %parallel_loop3A_273 = tpu.vector_load_idx %arg5[%broadcast_in_dim3A_1, %parallel_loop3A_272] : memref<1x100000xf32, #tpu.memory_space<vmem>>[vector<16xi32>, vector<16xi32>], vector<16xf32>,
          %parallel_loop3A_274 = arith.constant 1 : i32
          %parallel_loop3A_275 = arith.index_cast %parallel_loop3A_274 : i32 to index
          %parallel_loop3A_276 = arith.index_cast %parallel_loop3A_206 : i32 to index
          %parallel_loop3A_277 = arith.constant 80 : index
          %parallel_loop3A_278 = tpu.vector_load %arg9[%parallel_loop3A_275, %parallel_loop3A_276, %parallel_loop3A_277] {strides = array<i32>} : memref<2x32x128xf32, #tpu.memory_space<vmem>>, vector<16xf32>,
          tpu.vector_store %arg9[%parallel_loop3A_275, %parallel_loop3A_276, %parallel_loop3A_277], %parallel_loop3A_273 {strides = array<i32>} : memref<2x32x128xf32, #tpu.memory_space<vmem>>, vector<16xf32>,
          %parallel_loop3A_279 = arith.constant 128 : i32
          %parallel_loop3A_280 = arith.muli %parallel_loop3A_206, %parallel_loop3A_279 : i32
          %parallel_loop3A_281 = arith.constant 96 : i32
          %parallel_loop3A_282 = arith.addi %parallel_loop3A_280, %parallel_loop3A_281 : i32
          %parallel_loop3A_283 = arith.index_cast %parallel_loop3A_282 : i32 to index
          %parallel_loop3A_284 = tpu.vector_load %arg7[%parallel_loop3A_283] {strides = array<i32>} : memref<4096xi32, #tpu.memory_space<vmem>>, vector<16xi32>,
          %parallel_loop3A_285 = tpu.vector_load_idx %arg5[%broadcast_in_dim3A_1, %parallel_loop3A_284] : memref<1x100000xf32, #tpu.memory_space<vmem>>[vector<16xi32>, vector<16xi32>], vector<16xf32>,
          %parallel_loop3A_286 = arith.constant 1 : i32
          %parallel_loop3A_287 = arith.index_cast %parallel_loop3A_286 : i32 to index
          %parallel_loop3A_288 = arith.index_cast %parallel_loop3A_206 : i32 to index
          %parallel_loop3A_289 = arith.constant 96 : index
          %parallel_loop3A_290 = tpu.vector_load %arg9[%parallel_loop3A_287, %parallel_loop3A_288, %parallel_loop3A_289] {strides = array<i32>} : memref<2x32x128xf32, #tpu.memory_space<vmem>>, vector<16xf32>,
          tpu.vector_store %arg9[%parallel_loop3A_287, %parallel_loop3A_288, %parallel_loop3A_289], %parallel_loop3A_285 {strides = array<i32>} : memref<2x32x128xf32, #tpu.memory_space<vmem>>, vector<16xf32>,
          %parallel_loop3A_291 = arith.constant 128 : i32
          %parallel_loop3A_292 = arith.muli %parallel_loop3A_206, %parallel_loop3A_291 : i32
          %parallel_loop3A_293 = arith.constant 112 : i32
          %parallel_loop3A_294 = arith.addi %parallel_loop3A_292, %parallel_loop3A_293 : i32
          %parallel_loop3A_295 = arith.index_cast %parallel_loop3A_294 : i32 to index
          %parallel_loop3A_296 = tpu.vector_load %arg7[%parallel_loop3A_295] {strides = array<i32>} : memref<4096xi32, #tpu.memory_space<vmem>>, vector<16xi32>,
          %parallel_loop3A_297 = tpu.vector_load_idx %arg5[%broadcast_in_dim3A_1, %parallel_loop3A_296] : memref<1x100000xf32, #tpu.memory_space<vmem>>[vector<16xi32>, vector<16xi32>], vector<16xf32>,
          %parallel_loop3A_298 = arith.constant 1 : i32
          %parallel_loop3A_299 = arith.index_cast %parallel_loop3A_298 : i32 to index
          %parallel_loop3A_300 = arith.index_cast %parallel_loop3A_206 : i32 to index
          %parallel_loop3A_301 = arith.constant 112 : index
          %parallel_loop3A_302 = tpu.vector_load %arg9[%parallel_loop3A_299, %parallel_loop3A_300, %parallel_loop3A_301] {strides = array<i32>} : memref<2x32x128xf32, #tpu.memory_space<vmem>>, vector<16xf32>,
          tpu.vector_store %arg9[%parallel_loop3A_299, %parallel_loop3A_300, %parallel_loop3A_301], %parallel_loop3A_297 {strides = array<i32>} : memref<2x32x128xf32, #tpu.memory_space<vmem>>, vector<16xf32>,
        } {sc.loop_unroll_factor = 1 : i64, sc.parallel_access}
        %add3A_192 = arith.constant 3 : i32
        %add3A_193 = arith.addi %mul3A_171, %add3A_192 : i32
        %mul3A_194 = arith.constant 4096 : i32
        %mul3A_195 = arith.muli %add3A_193, %mul3A_194 : i32
        %dma_start3A_196 = tpu.memref_slice %arg3[%mul3A_195] : memref<204800xi32, #tpu.memory_space<hbm>> -> memref<4096xi32, #tpu.memory_space<hbm>>
        %dma_start3A_197 = tpu.memref_slice %arg3[%mul3A_195] : memref<204800xi32, #tpu.memory_space<hbm>> -> memref<4096xi32, #tpu.memory_space<hbm>>
        tpu.enqueue_dma source(%dma_start3A_197 : memref<4096xi32, #tpu.memory_space<hbm>>) target(%arg7 : memref<4096xi32, #tpu.memory_space<vmem>>) target_semaphore(%arg11 : memref<!tpu.dma_semaphore, #tpu.memory_space<semaphore_mem>>)
        %dma_start3A_198 = arith.constant 0 : i32
        %dma_start3A_199 = arith.constant 0 : i32
        %dma_start3A_200 = tpu.memref_slice %arg4[%mul3A_171, %select_n3A, %dma_start3A_198, %select_n3A_43, %dma_start3A_199] : memref<50x8x32x8x128xf32, #tpu.memory_space<hbm>> -> memref<2x1x32x1x128xf32, #tpu.memory_space<hbm>>
        %dma_start3A_201 = tpu.memref_squeeze %dma_start3A_200 : memref<2x1x32x1x128xf32, #tpu.memory_space<hbm>> -> memref<2x32x128xf32, #tpu.memory_space<hbm>>
        %dma_start3A_202 = arith.constant 0 : i32
        %dma_start3A_203 = arith.constant 0 : i32
        %dma_start3A_204 = tpu.memref_slice %arg4[%mul3A_171, %select_n3A, %dma_start3A_202, %select_n3A_43, %dma_start3A_203] : memref<50x8x32x8x128xf32, #tpu.memory_space<hbm>> -> memref<2x1x32x1x128xf32, #tpu.memory_space<hbm>>
        %dma_start3A_205 = tpu.memref_squeeze %dma_start3A_204 : memref<2x1x32x1x128xf32, #tpu.memory_space<hbm>> -> memref<2x32x128xf32, #tpu.memory_space<hbm>>
        tpu.enqueue_dma source(%arg9 : memref<2x32x128xf32, #tpu.memory_space<vmem>>) target(%dma_start3A_205 : memref<2x32x128xf32, #tpu.memory_space<hbm>>) target_semaphore(%arg13 : memref<!tpu.dma_semaphore, #tpu.memory_space<semaphore_mem>>)
      }
      %scan3A_55 = arith.constant 12 : i32
      %dma_wait3A = arith.constant 0 : i32
      %dma_wait3A_56 = arith.constant 0 : i32
      %dma_wait3A_57 = arith.constant 0 : i32
      %dma_wait3A_58 = arith.constant 0 : i32
      %dma_wait3A_59 = arith.constant 0 : i32
      %dma_wait3A_60 = tpu.memref_slice %arg4[%dma_wait3A_57, %dma_wait3A, %dma_wait3A_58, %dma_wait3A_56, %dma_wait3A_59] : memref<50x8x32x8x128xf32, #tpu.memory_space<hbm>> -> memref<2x1x32x1x128xf32, #tpu.memory_space<hbm>>
      %dma_wait3A_61 = tpu.memref_squeeze %dma_wait3A_60 : memref<2x1x32x1x128xf32, #tpu.memory_space<hbm>> -> memref<2x32x128xf32, #tpu.memory_space<hbm>>
      %dma_wait3A_62 = arith.constant 0 : i32
      %dma_wait3A_63 = arith.constant 0 : i32
      %dma_wait3A_64 = arith.constant 0 : i32
      %dma_wait3A_65 = tpu.memref_slice %arg4[%dma_wait3A_62, %dma_wait3A, %dma_wait3A_63, %dma_wait3A_56, %dma_wait3A_64] : memref<50x8x32x8x128xf32, #tpu.memory_space<hbm>> -> memref<2x1x32x1x128xf32, #tpu.memory_space<hbm>>
      %dma_wait3A_66 = tpu.memref_squeeze %dma_wait3A_65 : memref<2x1x32x1x128xf32, #tpu.memory_space<hbm>> -> memref<2x32x128xf32, #tpu.memory_space<hbm>>
      tpu.wait_dma2 semaphore(%arg12 : memref<!tpu.dma_semaphore, #tpu.memory_space<semaphore_mem>>) src(%arg8 : memref<2x32x128xf32, #tpu.memory_space<vmem>>) dst(%dma_wait3A_66 : memref<2x32x128xf32, #tpu.memory_space<hbm>>)
      %dma_wait3A_67 = arith.constant 0 : i32
      %dma_wait3A_68 = tpu.memref_slice %arg3[%dma_wait3A_67] : memref<204800xi32, #tpu.memory_space<hbm>> -> memref<4096xi32, #tpu.memory_space<hbm>>
      %dma_wait3A_69 = arith.constant 0 : i32
      %dma_wait3A_70 = tpu.memref_slice %arg3[%dma_wait3A_69] : memref<204800xi32, #tpu.memory_space<hbm>> -> memref<4096xi32, #tpu.memory_space<hbm>>
      tpu.wait_dma2 semaphore(%arg10 : memref<!tpu.dma_semaphore, #tpu.memory_space<semaphore_mem>>) src(%dma_wait3A_70 : memref<4096xi32, #tpu.memory_space<hbm>>) dst(%arg6 : memref<4096xi32, #tpu.memory_space<vmem>>)
      %parallel_loop3A = arith.constant 0 : i32
      %parallel_loop3A_71 = arith.constant 32 : i32
      %parallel_loop3A_72 = arith.constant 1 : i32
      scf.for %parallel_loop3A_114 = %parallel_loop3A to %parallel_loop3A_71 step %parallel_loop3A_72  : i32 {
        %parallel_loop3A_115 = arith.constant 128 : i32
        %parallel_loop3A_116 = arith.muli %parallel_loop3A_114, %parallel_loop3A_115 : i32
        %parallel_loop3A_117 = arith.constant 0 : i32
        %parallel_loop3A_118 = arith.addi %parallel_loop3A_116, %parallel_loop3A_117 : i32
        %parallel_loop3A_119 = arith.index_cast %parallel_loop3A_118 : i32 to index
        %parallel_loop3A_120 = tpu.vector_load %arg6[%parallel_loop3A_119] {strides = array<i32>} : memref<4096xi32, #tpu.memory_space<vmem>>, vector<16xi32>,
        %parallel_loop3A_121 = tpu.vector_load_idx %arg5[%broadcast_in_dim3A_1, %parallel_loop3A_120] : memref<1x100000xf32, #tpu.memory_space<vmem>>[vector<16xi32>, vector<16xi32>], vector<16xf32>,
        %parallel_loop3A_122 = arith.constant 0 : i32
        %parallel_loop3A_123 = arith.index_cast %parallel_loop3A_122 : i32 to index
        %parallel_loop3A_124 = arith.index_cast %parallel_loop3A_114 : i32 to index
        %parallel_loop3A_125 = arith.constant 0 : index
        %parallel_loop3A_126 = tpu.vector_load %arg8[%parallel_loop3A_123, %parallel_loop3A_124, %parallel_loop3A_125] {strides = array<i32>} : memref<2x32x128xf32, #tpu.memory_space<vmem>>, vector<16xf32>,
        tpu.vector_store %arg8[%parallel_loop3A_123, %parallel_loop3A_124, %parallel_loop3A_125], %parallel_loop3A_121 {strides = array<i32>} : memref<2x32x128xf32, #tpu.memory_space<vmem>>, vector<16xf32>,
        %parallel_loop3A_127 = arith.constant 128 : i32
        %parallel_loop3A_128 = arith.muli %parallel_loop3A_114, %parallel_loop3A_127 : i32
        %parallel_loop3A_129 = arith.constant 16 : i32
        %parallel_loop3A_130 = arith.addi %parallel_loop3A_128, %parallel_loop3A_129 : i32
        %parallel_loop3A_131 = arith.index_cast %parallel_loop3A_130 : i32 to index
        %parallel_loop3A_132 = tpu.vector_load %arg6[%parallel_loop3A_131] {strides = array<i32>} : memref<4096xi32, #tpu.memory_space<vmem>>, vector<16xi32>,
        %parallel_loop3A_133 = tpu.vector_load_idx %arg5[%broadcast_in_dim3A_1, %parallel_loop3A_132] : memref<1x100000xf32, #tpu.memory_space<vmem>>[vector<16xi32>, vector<16xi32>], vector<16xf32>,
        %parallel_loop3A_134 = arith.constant 0 : i32
        %parallel_loop3A_135 = arith.index_cast %parallel_loop3A_134 : i32 to index
        %parallel_loop3A_136 = arith.index_cast %parallel_loop3A_114 : i32 to index
        %parallel_loop3A_137 = arith.constant 16 : index
        %parallel_loop3A_138 = tpu.vector_load %arg8[%parallel_loop3A_135, %parallel_loop3A_136, %parallel_loop3A_137] {strides = array<i32>} : memref<2x32x128xf32, #tpu.memory_space<vmem>>, vector<16xf32>,
        tpu.vector_store %arg8[%parallel_loop3A_135, %parallel_loop3A_136, %parallel_loop3A_137], %parallel_loop3A_133 {strides = array<i32>} : memref<2x32x128xf32, #tpu.memory_space<vmem>>, vector<16xf32>,
        %parallel_loop3A_139 = arith.constant 128 : i32
        %parallel_loop3A_140 = arith.muli %parallel_loop3A_114, %parallel_loop3A_139 : i32
        %parallel_loop3A_141 = arith.constant 32 : i32
        %parallel_loop3A_142 = arith.addi %parallel_loop3A_140, %parallel_loop3A_141 : i32
        %parallel_loop3A_143 = arith.index_cast %parallel_loop3A_142 : i32 to index
        %parallel_loop3A_144 = tpu.vector_load %arg6[%parallel_loop3A_143] {strides = array<i32>} : memref<4096xi32, #tpu.memory_space<vmem>>, vector<16xi32>,
        %parallel_loop3A_145 = tpu.vector_load_idx %arg5[%broadcast_in_dim3A_1, %parallel_loop3A_144] : memref<1x100000xf32, #tpu.memory_space<vmem>>[vector<16xi32>, vector<16xi32>], vector<16xf32>,
        %parallel_loop3A_146 = arith.constant 0 : i32
        %parallel_loop3A_147 = arith.index_cast %parallel_loop3A_146 : i32 to index
        %parallel_loop3A_148 = arith.index_cast %parallel_loop3A_114 : i32 to index
        %parallel_loop3A_149 = arith.constant 32 : index
        %parallel_loop3A_150 = tpu.vector_load %arg8[%parallel_loop3A_147, %parallel_loop3A_148, %parallel_loop3A_149] {strides = array<i32>} : memref<2x32x128xf32, #tpu.memory_space<vmem>>, vector<16xf32>,
        tpu.vector_store %arg8[%parallel_loop3A_147, %parallel_loop3A_148, %parallel_loop3A_149], %parallel_loop3A_145 {strides = array<i32>} : memref<2x32x128xf32, #tpu.memory_space<vmem>>, vector<16xf32>,
        %parallel_loop3A_151 = arith.constant 128 : i32
        %parallel_loop3A_152 = arith.muli %parallel_loop3A_114, %parallel_loop3A_151 : i32
        %parallel_loop3A_153 = arith.constant 48 : i32
        %parallel_loop3A_154 = arith.addi %parallel_loop3A_152, %parallel_loop3A_153 : i32
        %parallel_loop3A_155 = arith.index_cast %parallel_loop3A_154 : i32 to index
        %parallel_loop3A_156 = tpu.vector_load %arg6[%parallel_loop3A_155] {strides = array<i32>} : memref<4096xi32, #tpu.memory_space<vmem>>, vector<16xi32>,
        %parallel_loop3A_157 = tpu.vector_load_idx %arg5[%broadcast_in_dim3A_1, %parallel_loop3A_156] : memref<1x100000xf32, #tpu.memory_space<vmem>>[vector<16xi32>, vector<16xi32>], vector<16xf32>,
        %parallel_loop3A_158 = arith.constant 0 : i32
        %parallel_loop3A_159 = arith.index_cast %parallel_loop3A_158 : i32 to index
        %parallel_loop3A_160 = arith.index_cast %parallel_loop3A_114 : i32 to index
        %parallel_loop3A_161 = arith.constant 48 : index
        %parallel_loop3A_162 = tpu.vector_load %arg8[%parallel_loop3A_159, %parallel_loop3A_160, %parallel_loop3A_161] {strides = array<i32>} : memref<2x32x128xf32, #tpu.memory_space<vmem>>, vector<16xf32>,
        tpu.vector_store %arg8[%parallel_loop3A_159, %parallel_loop3A_160, %parallel_loop3A_161], %parallel_loop3A_157 {strides = array<i32>} : memref<2x32x128xf32, #tpu.memory_space<vmem>>, vector<16xf32>,
        %parallel_loop3A_163 = arith.constant 128 : i32
        %parallel_loop3A_164 = arith.muli %parallel_loop3A_114, %parallel_loop3A_163 : i32
        %parallel_loop3A_165 = arith.constant 64 : i32
        %parallel_loop3A_166 = arith.addi %parallel_loop3A_164, %parallel_loop3A_165 : i32
        %parallel_loop3A_167 = arith.index_cast %parallel_loop3A_166 : i32 to index
        %parallel_loop3A_168 = tpu.vector_load %arg6[%parallel_loop3A_167] {strides = array<i32>} : memref<4096xi32, #tpu.memory_space<vmem>>, vector<16xi32>,
        %parallel_loop3A_169 = tpu.vector_load_idx %arg5[%broadcast_in_dim3A_1, %parallel_loop3A_168] : memref<1x100000xf32, #tpu.memory_space<vmem>>[vector<16xi32>, vector<16xi32>], vector<16xf32>,
        %parallel_loop3A_170 = arith.constant 0 : i32
        %parallel_loop3A_171 = arith.index_cast %parallel_loop3A_170 : i32 to index
        %parallel_loop3A_172 = arith.index_cast %parallel_loop3A_114 : i32 to index
        %parallel_loop3A_173 = arith.constant 64 : index
        %parallel_loop3A_174 = tpu.vector_load %arg8[%parallel_loop3A_171, %parallel_loop3A_172, %parallel_loop3A_173] {strides = array<i32>} : memref<2x32x128xf32, #tpu.memory_space<vmem>>, vector<16xf32>,
        tpu.vector_store %arg8[%parallel_loop3A_171, %parallel_loop3A_172, %parallel_loop3A_173], %parallel_loop3A_169 {strides = array<i32>} : memref<2x32x128xf32, #tpu.memory_space<vmem>>, vector<16xf32>,
        %parallel_loop3A_175 = arith.constant 128 : i32
        %parallel_loop3A_176 = arith.muli %parallel_loop3A_114, %parallel_loop3A_175 : i32
        %parallel_loop3A_177 = arith.constant 80 : i32
        %parallel_loop3A_178 = arith.addi %parallel_loop3A_176, %parallel_loop3A_177 : i32
        %parallel_loop3A_179 = arith.index_cast %parallel_loop3A_178 : i32 to index
        %parallel_loop3A_180 = tpu.vector_load %arg6[%parallel_loop3A_179] {strides = array<i32>} : memref<4096xi32, #tpu.memory_space<vmem>>, vector<16xi32>,
        %parallel_loop3A_181 = tpu.vector_load_idx %arg5[%broadcast_in_dim3A_1, %parallel_loop3A_180] : memref<1x100000xf32, #tpu.memory_space<vmem>>[vector<16xi32>, vector<16xi32>], vector<16xf32>,
        %parallel_loop3A_182 = arith.constant 0 : i32
        %parallel_loop3A_183 = arith.index_cast %parallel_loop3A_182 : i32 to index
        %parallel_loop3A_184 = arith.index_cast %parallel_loop3A_114 : i32 to index
        %parallel_loop3A_185 = arith.constant 80 : index
        %parallel_loop3A_186 = tpu.vector_load %arg8[%parallel_loop3A_183, %parallel_loop3A_184, %parallel_loop3A_185] {strides = array<i32>} : memref<2x32x128xf32, #tpu.memory_space<vmem>>, vector<16xf32>,
        tpu.vector_store %arg8[%parallel_loop3A_183, %parallel_loop3A_184, %parallel_loop3A_185], %parallel_loop3A_181 {strides = array<i32>} : memref<2x32x128xf32, #tpu.memory_space<vmem>>, vector<16xf32>,
        %parallel_loop3A_187 = arith.constant 128 : i32
        %parallel_loop3A_188 = arith.muli %parallel_loop3A_114, %parallel_loop3A_187 : i32
        %parallel_loop3A_189 = arith.constant 96 : i32
        %parallel_loop3A_190 = arith.addi %parallel_loop3A_188, %parallel_loop3A_189 : i32
        %parallel_loop3A_191 = arith.index_cast %parallel_loop3A_190 : i32 to index
        %parallel_loop3A_192 = tpu.vector_load %arg6[%parallel_loop3A_191] {strides = array<i32>} : memref<4096xi32, #tpu.memory_space<vmem>>, vector<16xi32>,
        %parallel_loop3A_193 = tpu.vector_load_idx %arg5[%broadcast_in_dim3A_1, %parallel_loop3A_192] : memref<1x100000xf32, #tpu.memory_space<vmem>>[vector<16xi32>, vector<16xi32>], vector<16xf32>,
        %parallel_loop3A_194 = arith.constant 0 : i32
        %parallel_loop3A_195 = arith.index_cast %parallel_loop3A_194 : i32 to index
        %parallel_loop3A_196 = arith.index_cast %parallel_loop3A_114 : i32 to index
        %parallel_loop3A_197 = arith.constant 96 : index
        %parallel_loop3A_198 = tpu.vector_load %arg8[%parallel_loop3A_195, %parallel_loop3A_196, %parallel_loop3A_197] {strides = array<i32>} : memref<2x32x128xf32, #tpu.memory_space<vmem>>, vector<16xf32>,
        tpu.vector_store %arg8[%parallel_loop3A_195, %parallel_loop3A_196, %parallel_loop3A_197], %parallel_loop3A_193 {strides = array<i32>} : memref<2x32x128xf32, #tpu.memory_space<vmem>>, vector<16xf32>,
        %parallel_loop3A_199 = arith.constant 128 : i32
        %parallel_loop3A_200 = arith.muli %parallel_loop3A_114, %parallel_loop3A_199 : i32
        %parallel_loop3A_201 = arith.constant 112 : i32
        %parallel_loop3A_202 = arith.addi %parallel_loop3A_200, %parallel_loop3A_201 : i32
        %parallel_loop3A_203 = arith.index_cast %parallel_loop3A_202 : i32 to index
        %parallel_loop3A_204 = tpu.vector_load %arg6[%parallel_loop3A_203] {strides = array<i32>} : memref<4096xi32, #tpu.memory_space<vmem>>, vector<16xi32>,
        %parallel_loop3A_205 = tpu.vector_load_idx %arg5[%broadcast_in_dim3A_1, %parallel_loop3A_204] : memref<1x100000xf32, #tpu.memory_space<vmem>>[vector<16xi32>, vector<16xi32>], vector<16xf32>,
        %parallel_loop3A_206 = arith.constant 0 : i32
        %parallel_loop3A_207 = arith.index_cast %parallel_loop3A_206 : i32 to index
        %parallel_loop3A_208 = arith.index_cast %parallel_loop3A_114 : i32 to index
        %parallel_loop3A_209 = arith.constant 112 : index
        %parallel_loop3A_210 = tpu.vector_load %arg8[%parallel_loop3A_207, %parallel_loop3A_208, %parallel_loop3A_209] {strides = array<i32>} : memref<2x32x128xf32, #tpu.memory_space<vmem>>, vector<16xf32>,
        tpu.vector_store %arg8[%parallel_loop3A_207, %parallel_loop3A_208, %parallel_loop3A_209], %parallel_loop3A_205 {strides = array<i32>} : memref<2x32x128xf32, #tpu.memory_space<vmem>>, vector<16xf32>,
      } {sc.loop_unroll_factor = 1 : i64, sc.parallel_access}
      %dma_wait3A_73 = arith.constant 0 : i32
      %dma_wait3A_74 = tpu.memref_slice %arg3[%dma_wait3A_73] : memref<204800xi32, #tpu.memory_space<hbm>> -> memref<4096xi32, #tpu.memory_space<hbm>>
      %dma_wait3A_75 = arith.constant 0 : i32
      %dma_wait3A_76 = tpu.memref_slice %arg3[%dma_wait3A_75] : memref<204800xi32, #tpu.memory_space<hbm>> -> memref<4096xi32, #tpu.memory_space<hbm>>
      tpu.wait_dma2 semaphore(%arg11 : memref<!tpu.dma_semaphore, #tpu.memory_space<semaphore_mem>>) src(%dma_wait3A_76 : memref<4096xi32, #tpu.memory_space<hbm>>) dst(%arg7 : memref<4096xi32, #tpu.memory_space<vmem>>)
      %parallel_loop3A_77 = arith.constant 0 : i32
      %parallel_loop3A_78 = arith.constant 32 : i32
      %parallel_loop3A_79 = arith.constant 1 : i32
      scf.for %parallel_loop3A_114 = %parallel_loop3A_77 to %parallel_loop3A_78 step %parallel_loop3A_79  : i32 {
        %parallel_loop3A_115 = arith.constant 128 : i32
        %parallel_loop3A_116 = arith.muli %parallel_loop3A_114, %parallel_loop3A_115 : i32
        %parallel_loop3A_117 = arith.constant 0 : i32
        %parallel_loop3A_118 = arith.addi %parallel_loop3A_116, %parallel_loop3A_117 : i32
        %parallel_loop3A_119 = arith.index_cast %parallel_loop3A_118 : i32 to index
        %parallel_loop3A_120 = tpu.vector_load %arg7[%parallel_loop3A_119] {strides = array<i32>} : memref<4096xi32, #tpu.memory_space<vmem>>, vector<16xi32>,
        %parallel_loop3A_121 = tpu.vector_load_idx %arg5[%broadcast_in_dim3A_1, %parallel_loop3A_120] : memref<1x100000xf32, #tpu.memory_space<vmem>>[vector<16xi32>, vector<16xi32>], vector<16xf32>,
        %parallel_loop3A_122 = arith.constant 1 : i32
        %parallel_loop3A_123 = arith.index_cast %parallel_loop3A_122 : i32 to index
        %parallel_loop3A_124 = arith.index_cast %parallel_loop3A_114 : i32 to index
        %parallel_loop3A_125 = arith.constant 0 : index
        %parallel_loop3A_126 = tpu.vector_load %arg8[%parallel_loop3A_123, %parallel_loop3A_124, %parallel_loop3A_125] {strides = array<i32>} : memref<2x32x128xf32, #tpu.memory_space<vmem>>, vector<16xf32>,
        tpu.vector_store %arg8[%parallel_loop3A_123, %parallel_loop3A_124, %parallel_loop3A_125], %parallel_loop3A_121 {strides = array<i32>} : memref<2x32x128xf32, #tpu.memory_space<vmem>>, vector<16xf32>,
        %parallel_loop3A_127 = arith.constant 128 : i32
        %parallel_loop3A_128 = arith.muli %parallel_loop3A_114, %parallel_loop3A_127 : i32
        %parallel_loop3A_129 = arith.constant 16 : i32
        %parallel_loop3A_130 = arith.addi %parallel_loop3A_128, %parallel_loop3A_129 : i32
        %parallel_loop3A_131 = arith.index_cast %parallel_loop3A_130 : i32 to index
        %parallel_loop3A_132 = tpu.vector_load %arg7[%parallel_loop3A_131] {strides = array<i32>} : memref<4096xi32, #tpu.memory_space<vmem>>, vector<16xi32>,
        %parallel_loop3A_133 = tpu.vector_load_idx %arg5[%broadcast_in_dim3A_1, %parallel_loop3A_132] : memref<1x100000xf32, #tpu.memory_space<vmem>>[vector<16xi32>, vector<16xi32>], vector<16xf32>,
        %parallel_loop3A_134 = arith.constant 1 : i32
        %parallel_loop3A_135 = arith.index_cast %parallel_loop3A_134 : i32 to index
        %parallel_loop3A_136 = arith.index_cast %parallel_loop3A_114 : i32 to index
        %parallel_loop3A_137 = arith.constant 16 : index
        %parallel_loop3A_138 = tpu.vector_load %arg8[%parallel_loop3A_135, %parallel_loop3A_136, %parallel_loop3A_137] {strides = array<i32>} : memref<2x32x128xf32, #tpu.memory_space<vmem>>, vector<16xf32>,
        tpu.vector_store %arg8[%parallel_loop3A_135, %parallel_loop3A_136, %parallel_loop3A_137], %parallel_loop3A_133 {strides = array<i32>} : memref<2x32x128xf32, #tpu.memory_space<vmem>>, vector<16xf32>,
        %parallel_loop3A_139 = arith.constant 128 : i32
        %parallel_loop3A_140 = arith.muli %parallel_loop3A_114, %parallel_loop3A_139 : i32
        %parallel_loop3A_141 = arith.constant 32 : i32
        %parallel_loop3A_142 = arith.addi %parallel_loop3A_140, %parallel_loop3A_141 : i32
        %parallel_loop3A_143 = arith.index_cast %parallel_loop3A_142 : i32 to index
        %parallel_loop3A_144 = tpu.vector_load %arg7[%parallel_loop3A_143] {strides = array<i32>} : memref<4096xi32, #tpu.memory_space<vmem>>, vector<16xi32>,
        %parallel_loop3A_145 = tpu.vector_load_idx %arg5[%broadcast_in_dim3A_1, %parallel_loop3A_144] : memref<1x100000xf32, #tpu.memory_space<vmem>>[vector<16xi32>, vector<16xi32>], vector<16xf32>,
        %parallel_loop3A_146 = arith.constant 1 : i32
        %parallel_loop3A_147 = arith.index_cast %parallel_loop3A_146 : i32 to index
        %parallel_loop3A_148 = arith.index_cast %parallel_loop3A_114 : i32 to index
        %parallel_loop3A_149 = arith.constant 32 : index
        %parallel_loop3A_150 = tpu.vector_load %arg8[%parallel_loop3A_147, %parallel_loop3A_148, %parallel_loop3A_149] {strides = array<i32>} : memref<2x32x128xf32, #tpu.memory_space<vmem>>, vector<16xf32>,
        tpu.vector_store %arg8[%parallel_loop3A_147, %parallel_loop3A_148, %parallel_loop3A_149], %parallel_loop3A_145 {strides = array<i32>} : memref<2x32x128xf32, #tpu.memory_space<vmem>>, vector<16xf32>,
        %parallel_loop3A_151 = arith.constant 128 : i32
        %parallel_loop3A_152 = arith.muli %parallel_loop3A_114, %parallel_loop3A_151 : i32
        %parallel_loop3A_153 = arith.constant 48 : i32
        %parallel_loop3A_154 = arith.addi %parallel_loop3A_152, %parallel_loop3A_153 : i32
        %parallel_loop3A_155 = arith.index_cast %parallel_loop3A_154 : i32 to index
        %parallel_loop3A_156 = tpu.vector_load %arg7[%parallel_loop3A_155] {strides = array<i32>} : memref<4096xi32, #tpu.memory_space<vmem>>, vector<16xi32>,
        %parallel_loop3A_157 = tpu.vector_load_idx %arg5[%broadcast_in_dim3A_1, %parallel_loop3A_156] : memref<1x100000xf32, #tpu.memory_space<vmem>>[vector<16xi32>, vector<16xi32>], vector<16xf32>,
        %parallel_loop3A_158 = arith.constant 1 : i32
        %parallel_loop3A_159 = arith.index_cast %parallel_loop3A_158 : i32 to index
        %parallel_loop3A_160 = arith.index_cast %parallel_loop3A_114 : i32 to index
        %parallel_loop3A_161 = arith.constant 48 : index
        %parallel_loop3A_162 = tpu.vector_load %arg8[%parallel_loop3A_159, %parallel_loop3A_160, %parallel_loop3A_161] {strides = array<i32>} : memref<2x32x128xf32, #tpu.memory_space<vmem>>, vector<16xf32>,
        tpu.vector_store %arg8[%parallel_loop3A_159, %parallel_loop3A_160, %parallel_loop3A_161], %parallel_loop3A_157 {strides = array<i32>} : memref<2x32x128xf32, #tpu.memory_space<vmem>>, vector<16xf32>,
        %parallel_loop3A_163 = arith.constant 128 : i32
        %parallel_loop3A_164 = arith.muli %parallel_loop3A_114, %parallel_loop3A_163 : i32
        %parallel_loop3A_165 = arith.constant 64 : i32
        %parallel_loop3A_166 = arith.addi %parallel_loop3A_164, %parallel_loop3A_165 : i32
        %parallel_loop3A_167 = arith.index_cast %parallel_loop3A_166 : i32 to index
        %parallel_loop3A_168 = tpu.vector_load %arg7[%parallel_loop3A_167] {strides = array<i32>} : memref<4096xi32, #tpu.memory_space<vmem>>, vector<16xi32>,
        %parallel_loop3A_169 = tpu.vector_load_idx %arg5[%broadcast_in_dim3A_1, %parallel_loop3A_168] : memref<1x100000xf32, #tpu.memory_space<vmem>>[vector<16xi32>, vector<16xi32>], vector<16xf32>,
        %parallel_loop3A_170 = arith.constant 1 : i32
        %parallel_loop3A_171 = arith.index_cast %parallel_loop3A_170 : i32 to index
        %parallel_loop3A_172 = arith.index_cast %parallel_loop3A_114 : i32 to index
        %parallel_loop3A_173 = arith.constant 64 : index
        %parallel_loop3A_174 = tpu.vector_load %arg8[%parallel_loop3A_171, %parallel_loop3A_172, %parallel_loop3A_173] {strides = array<i32>} : memref<2x32x128xf32, #tpu.memory_space<vmem>>, vector<16xf32>,
        tpu.vector_store %arg8[%parallel_loop3A_171, %parallel_loop3A_172, %parallel_loop3A_173], %parallel_loop3A_169 {strides = array<i32>} : memref<2x32x128xf32, #tpu.memory_space<vmem>>, vector<16xf32>,
        %parallel_loop3A_175 = arith.constant 128 : i32
        %parallel_loop3A_176 = arith.muli %parallel_loop3A_114, %parallel_loop3A_175 : i32
        %parallel_loop3A_177 = arith.constant 80 : i32
        %parallel_loop3A_178 = arith.addi %parallel_loop3A_176, %parallel_loop3A_177 : i32
        %parallel_loop3A_179 = arith.index_cast %parallel_loop3A_178 : i32 to index
        %parallel_loop3A_180 = tpu.vector_load %arg7[%parallel_loop3A_179] {strides = array<i32>} : memref<4096xi32, #tpu.memory_space<vmem>>, vector<16xi32>,
        %parallel_loop3A_181 = tpu.vector_load_idx %arg5[%broadcast_in_dim3A_1, %parallel_loop3A_180] : memref<1x100000xf32, #tpu.memory_space<vmem>>[vector<16xi32>, vector<16xi32>], vector<16xf32>,
        %parallel_loop3A_182 = arith.constant 1 : i32
        %parallel_loop3A_183 = arith.index_cast %parallel_loop3A_182 : i32 to index
        %parallel_loop3A_184 = arith.index_cast %parallel_loop3A_114 : i32 to index
        %parallel_loop3A_185 = arith.constant 80 : index
        %parallel_loop3A_186 = tpu.vector_load %arg8[%parallel_loop3A_183, %parallel_loop3A_184, %parallel_loop3A_185] {strides = array<i32>} : memref<2x32x128xf32, #tpu.memory_space<vmem>>, vector<16xf32>,
        tpu.vector_store %arg8[%parallel_loop3A_183, %parallel_loop3A_184, %parallel_loop3A_185], %parallel_loop3A_181 {strides = array<i32>} : memref<2x32x128xf32, #tpu.memory_space<vmem>>, vector<16xf32>,
        %parallel_loop3A_187 = arith.constant 128 : i32
        %parallel_loop3A_188 = arith.muli %parallel_loop3A_114, %parallel_loop3A_187 : i32
        %parallel_loop3A_189 = arith.constant 96 : i32
        %parallel_loop3A_190 = arith.addi %parallel_loop3A_188, %parallel_loop3A_189 : i32
        %parallel_loop3A_191 = arith.index_cast %parallel_loop3A_190 : i32 to index
        %parallel_loop3A_192 = tpu.vector_load %arg7[%parallel_loop3A_191] {strides = array<i32>} : memref<4096xi32, #tpu.memory_space<vmem>>, vector<16xi32>,
        %parallel_loop3A_193 = tpu.vector_load_idx %arg5[%broadcast_in_dim3A_1, %parallel_loop3A_192] : memref<1x100000xf32, #tpu.memory_space<vmem>>[vector<16xi32>, vector<16xi32>], vector<16xf32>,
        %parallel_loop3A_194 = arith.constant 1 : i32
        %parallel_loop3A_195 = arith.index_cast %parallel_loop3A_194 : i32 to index
        %parallel_loop3A_196 = arith.index_cast %parallel_loop3A_114 : i32 to index
        %parallel_loop3A_197 = arith.constant 96 : index
        %parallel_loop3A_198 = tpu.vector_load %arg8[%parallel_loop3A_195, %parallel_loop3A_196, %parallel_loop3A_197] {strides = array<i32>} : memref<2x32x128xf32, #tpu.memory_space<vmem>>, vector<16xf32>,
        tpu.vector_store %arg8[%parallel_loop3A_195, %parallel_loop3A_196, %parallel_loop3A_197], %parallel_loop3A_193 {strides = array<i32>} : memref<2x32x128xf32, #tpu.memory_space<vmem>>, vector<16xf32>,
        %parallel_loop3A_199 = arith.constant 128 : i32
        %parallel_loop3A_200 = arith.muli %parallel_loop3A_114, %parallel_loop3A_199 : i32
        %parallel_loop3A_201 = arith.constant 112 : i32
        %parallel_loop3A_202 = arith.addi %parallel_loop3A_200, %parallel_loop3A_201 : i32
        %parallel_loop3A_203 = arith.index_cast %parallel_loop3A_202 : i32 to index
        %parallel_loop3A_204 = tpu.vector_load %arg7[%parallel_loop3A_203] {strides = array<i32>} : memref<4096xi32, #tpu.memory_space<vmem>>, vector<16xi32>,
        %parallel_loop3A_205 = tpu.vector_load_idx %arg5[%broadcast_in_dim3A_1, %parallel_loop3A_204] : memref<1x100000xf32, #tpu.memory_space<vmem>>[vector<16xi32>, vector<16xi32>], vector<16xf32>,
        %parallel_loop3A_206 = arith.constant 1 : i32
        %parallel_loop3A_207 = arith.index_cast %parallel_loop3A_206 : i32 to index
        %parallel_loop3A_208 = arith.index_cast %parallel_loop3A_114 : i32 to index
        %parallel_loop3A_209 = arith.constant 112 : index
        %parallel_loop3A_210 = tpu.vector_load %arg8[%parallel_loop3A_207, %parallel_loop3A_208, %parallel_loop3A_209] {strides = array<i32>} : memref<2x32x128xf32, #tpu.memory_space<vmem>>, vector<16xf32>,
        tpu.vector_store %arg8[%parallel_loop3A_207, %parallel_loop3A_208, %parallel_loop3A_209], %parallel_loop3A_205 {strides = array<i32>} : memref<2x32x128xf32, #tpu.memory_space<vmem>>, vector<16xf32>,
      } {sc.loop_unroll_factor = 1 : i64, sc.parallel_access}
      %dma_start3A_80 = arith.constant 48 : i32
      %dma_start3A_81 = arith.constant 0 : i32
      %dma_start3A_82 = arith.constant 0 : i32
      %dma_start3A_83 = tpu.memref_slice %arg4[%dma_start3A_80, %select_n3A, %dma_start3A_81, %select_n3A_43, %dma_start3A_82] : memref<50x8x32x8x128xf32, #tpu.memory_space<hbm>> -> memref<2x1x32x1x128xf32, #tpu.memory_space<hbm>>
      %dma_start3A_84 = tpu.memref_squeeze %dma_start3A_83 : memref<2x1x32x1x128xf32, #tpu.memory_space<hbm>> -> memref<2x32x128xf32, #tpu.memory_space<hbm>>
      %dma_start3A_85 = arith.constant 48 : i32
      %dma_start3A_86 = arith.constant 0 : i32
      %dma_start3A_87 = arith.constant 0 : i32
      %dma_start3A_88 = tpu.memref_slice %arg4[%dma_start3A_85, %select_n3A, %dma_start3A_86, %select_n3A_43, %dma_start3A_87] : memref<50x8x32x8x128xf32, #tpu.memory_space<hbm>> -> memref<2x1x32x1x128xf32, #tpu.memory_space<hbm>>
      %dma_start3A_89 = tpu.memref_squeeze %dma_start3A_88 : memref<2x1x32x1x128xf32, #tpu.memory_space<hbm>> -> memref<2x32x128xf32, #tpu.memory_space<hbm>>
      tpu.enqueue_dma source(%arg8 : memref<2x32x128xf32, #tpu.memory_space<vmem>>) target(%dma_start3A_89 : memref<2x32x128xf32, #tpu.memory_space<hbm>>) target_semaphore(%arg12 : memref<!tpu.dma_semaphore, #tpu.memory_space<semaphore_mem>>)
      %dma_wait3A_90 = arith.constant 0 : i32
      %dma_wait3A_91 = arith.constant 0 : i32
      %dma_wait3A_92 = arith.constant 0 : i32
      %dma_wait3A_93 = arith.constant 0 : i32
      %dma_wait3A_94 = arith.constant 0 : i32
      %dma_wait3A_95 = tpu.memref_slice %arg4[%dma_wait3A_92, %dma_wait3A_90, %dma_wait3A_93, %dma_wait3A_91, %dma_wait3A_94] : memref<50x8x32x8x128xf32, #tpu.memory_space<hbm>> -> memref<2x1x32x1x128xf32, #tpu.memory_space<hbm>>
      %dma_wait3A_96 = tpu.memref_squeeze %dma_wait3A_95 : memref<2x1x32x1x128xf32, #tpu.memory_space<hbm>> -> memref<2x32x128xf32, #tpu.memory_space<hbm>>
      %dma_wait3A_97 = arith.constant 0 : i32
      %dma_wait3A_98 = arith.constant 0 : i32
      %dma_wait3A_99 = arith.constant 0 : i32
      %dma_wait3A_100 = tpu.memref_slice %arg4[%dma_wait3A_97, %dma_wait3A_90, %dma_wait3A_98, %dma_wait3A_91, %dma_wait3A_99] : memref<50x8x32x8x128xf32, #tpu.memory_space<hbm>> -> memref<2x1x32x1x128xf32, #tpu.memory_space<hbm>>
      %dma_wait3A_101 = tpu.memref_squeeze %dma_wait3A_100 : memref<2x1x32x1x128xf32, #tpu.memory_space<hbm>> -> memref<2x32x128xf32, #tpu.memory_space<hbm>>
      tpu.wait_dma2 semaphore(%arg12 : memref<!tpu.dma_semaphore, #tpu.memory_space<semaphore_mem>>) src(%arg8 : memref<2x32x128xf32, #tpu.memory_space<vmem>>) dst(%dma_wait3A_101 : memref<2x32x128xf32, #tpu.memory_space<hbm>>)
      %dma_wait3A_102 = arith.constant 0 : i32
      %dma_wait3A_103 = arith.constant 0 : i32
      %dma_wait3A_104 = arith.constant 0 : i32
      %dma_wait3A_105 = arith.constant 0 : i32
      %dma_wait3A_106 = arith.constant 0 : i32
      %dma_wait3A_107 = tpu.memref_slice %arg4[%dma_wait3A_104, %dma_wait3A_102, %dma_wait3A_105, %dma_wait3A_103, %dma_wait3A_106] : memref<50x8x32x8x128xf32, #tpu.memory_space<hbm>> -> memref<2x1x32x1x128xf32, #tpu.memory_space<hbm>>
      %dma_wait3A_108 = tpu.memref_squeeze %dma_wait3A_107 : memref<2x1x32x1x128xf32, #tpu.memory_space<hbm>> -> memref<2x32x128xf32, #tpu.memory_space<hbm>>
      %dma_wait3A_109 = arith.constant 0 : i32
      %dma_wait3A_110 = arith.constant 0 : i32
      %dma_wait3A_111 = arith.constant 0 : i32
      %dma_wait3A_112 = tpu.memref_slice %arg4[%dma_wait3A_109, %dma_wait3A_102, %dma_wait3A_110, %dma_wait3A_103, %dma_wait3A_111] : memref<50x8x32x8x128xf32, #tpu.memory_space<hbm>> -> memref<2x1x32x1x128xf32, #tpu.memory_space<hbm>>
      %dma_wait3A_113 = tpu.memref_squeeze %dma_wait3A_112 : memref<2x1x32x1x128xf32, #tpu.memory_space<hbm>> -> memref<2x32x128xf32, #tpu.memory_space<hbm>>
      tpu.wait_dma2 semaphore(%arg13 : memref<!tpu.dma_semaphore, #tpu.memory_space<semaphore_mem>>) src(%arg9 : memref<2x32x128xf32, #tpu.memory_space<vmem>>) dst(%dma_wait3A_113 : memref<2x32x128xf32, #tpu.memory_space<hbm>>)
    }
    %scan3A_5 = arith.constant 2 : i32
    return
  }
}

</mosaic_0001>

<sc_bundles>
// kernel: kernel.3.cloned.1.call-start
scs
__scs_entry_jumppad:
0x0: {  	(pc) =	sbr.rel $0x88, $3  }
0x1: {  	(tag) =	ssettag $0x0;
	lr =	simm.s32 $0x1  }
0x2: {  	[smem:$0x3F9F] =	sst lr;
	_ =	strace $0xD0000000  }
0x3: {  	_ = 	snop  }
0x4: {  	_ = 	snop  }
0x5: {  	_ = 	snop  }
0x6: {  	_ = 	snop  }
0x7: {  	_ = 	snop  }
__scs_overlays_trampoline_lowered:
0x8: {  	[smem:$0x3FAE] =	sst s0  }
0x9: {  	[smem:$0x3FAF] =	sst s1  }
0xa: {  	[smem:$0x3FB0] =	sst s2  }
0xb: {  	[smem:$0x3FB1] =	sst s3  }
0xc: {  	[smem:$0x3FB2] =	sst s4  }
0xd: {  	[smem:$0x3FB3] =	sst s5  }
0xe: {  	[smem:$0x3FB4] =	sst s6  }
0xf: {  	[smem:$0x3FB5] =	sst s7  }
0x10: {  	[smem:$0x3FB6] =	sst s8  }
0x11: {  	[smem:$0x3FB7] =	sst s9;
	s0 =	simm.s32 @!p0 $0x0  }
0x12: {  	s1 =	sld [smem:$0x3F9D];
	s0 =	simm.s32 @p0 $0x1  }
0x13: {  	[smem:$0x3FB8] =	sst s0;
	s0 =	simm.s32 @!p1 $0x0  }
0x14: {  	s2 =	sld [smem:$0x3F9C];
	s0 =	simm.s32 @p1 $0x1  }
0x15: {  	[smem:$0x3FB9] =	sst s0;
	s0 =	simm.s32 @!p2 $0x0  }
0x16: {  	s3 =	sld [smem:$0x3FDB];
	s0 =	simm.s32 @p2 $0x1  }
0x17: {  	s4 =	simm.s32 $0x1BF5;
	[smem:$0x3FBB] =	sst s0  }
0x18: {  	s0 =	sld [smem:$0x3F9E];
	_ =	swait.ge [sflag:s4], $0x0  }
0x19: {  	s7 =	sld [smem:$0x3F9F]  }
0x1a: {  	s8 =	sadd.s32 $0xFFFFE003, lr  }
0x1b: {  	s9 =	sadd.s32 $0xFFFFFEF7, lr;
	s5 =	simm.s32 $0xFFFFFFFF;
	p2 =	slt.u32 s8, $0xFFFFF086  }
0x1c: {  	p1 =	slt.u32 s9, $0xF7A;
	s5 =	simm.s32 @!p2 $0x0  }
0x1d: {  	s5 =	simm.s32 @p1 $0x1;
	p0 =	seq.s32 s7, s2  }
0x1e: {  	s7 =	smul.u32 @!p0 $0xF7A, s2;
	p2 =	seq.s32 @!p0 s5, $0x0  }
0x1f: {  	s9 =	smul.u32 $0xF7A, s1;
	s8 =	simm.s32 @!p0 $0x1BF5;
	p2 =	por !p2, p0  }
0x20: {  	[sflag:s8] =	ssyncset.s32 @!p0 $0xFFFFF086;
	s6 =	sadd.s32 @!p0 s3, s7;
	s7 =	simm.s32 @!p0 $0x108  }
0x21: {  	s3 =	sadd.s32 s3, s9;
	s6 =	sadd.s32 @!p0 $0x88, s6;
	s7 =	simm.s32 @p2 $0x1082  }
0x22: {  	[simem:s7], [sflag:s8] =	dma.local @!p0 [hbm:s6], $0xF7A  }
0x23: {  	s9 =	sor.u32 $0xD0000000, s2;
	s6 =	simm.s32 $0x108;
	_ =	swait.ge @!p0 [sflag:s8], $0x0  }
0x24: {  	s3 =	sadd.s32 $0x88, s3;
	s6 =	simm.s32 @!p1 $0x1082;
	[sflag:s4] =	ssyncset.s32 $0xFFFFF086  }
0x25: {  	[simem:s6], [sflag:s4] =	dma.local [hbm:s3], $0xF7A  }
0x26: {  	[smem:$0x3F9F] =	sst s1;
	(tag) =	ssettag s2;
	_ =	strace s9  }
0x27: {  	s1 =	sld [smem:$0x3FAF]  }
0x28: {  	s2 =	sld [smem:$0x3FB0]  }
0x29: {  	s4 =	sld [smem:$0x3FB2]  }
0x2a: {  	p0 =	seq.s32 s5, $0x0;
	s5 =	sld [smem:$0x3FB3]  }
0x2b: {  	s6 =	sld [smem:$0x3FB4]  }
0x2c: {  	s7 =	sld [smem:$0x3FB5]  }
0x2d: {  	s3 =	simm.s32 $0x108;
	s8 =	sld [smem:$0x3FB6]  }
0x2e: {  	s3 =	simm.s32 @!p0 $0x1082;
	s9 =	sld [smem:$0x3FB7]  }
0x2f: {  	lr =	sadd.s32 s0, s3;
	s0 =	sld [smem:$0x3FAE]  }
0x30: {  	s3 =	sld [smem:$0x3FB1]  }
0x31: {  	[smem:$0x3FBA] =	sst s10  }
0x32: {  	s10 =	sld [smem:$0x3FB8];
	_ =	sdelay $0x3  }
0x33: {  	p0 =	seq.s32 s10, $0x1;
	s10 =	sld [smem:$0x3FBA];
	_ =	sdelay $0x3  }
0x34: {  	[smem:$0x3FBA] =	sst s10  }
0x35: {  	s10 =	sld [smem:$0x3FB9];
	_ =	sdelay $0x3  }
0x36: {  	p1 =	seq.s32 s10, $0x1;
	s10 =	sld [smem:$0x3FBA];
	_ =	sdelay $0x3  }
0x37: {  	[smem:$0x3FBA] =	sst s10  }
0x38: {  	s10 =	sld [smem:$0x3FBB]  }
0x39: {  	_ = 	snop;
	(pc) =	sbr.ind lr, $3  }
0x3a: {  	_ = 	snop  }
0x3b: {  	_ = 	snop  }
0x3c: {  	p2 =	seq.s32 s10, $0x1;
	s10 =	sld [smem:$0x3FBA]  }
0x3d: {  	_ =	shalt  }
0x3e: {  	_ =	shalt  }
0x3f: {  	_ =	shalt  }
0x40: {  	_ =	shalt  }
0x41: {  	_ =	shalt  }
0x42: {  	_ =	shalt  }
0x43: {  	_ =	shalt  }
0x44: {  	_ =	shalt  }
0x45: {  	_ =	shalt  }
0x46: {  	_ =	shalt  }
0x47: {  	_ =	shalt  }
0x48: {  	_ =	shalt  }
0x49: {  	_ =	shalt  }
0x4a: {  	_ =	shalt  }
0x4b: {  	_ =	shalt  }
0x4c: {  	_ =	shalt  }
0x4d: {  	_ =	shalt  }
0x4e: {  	_ =	shalt  }
0x4f: {  	_ =	shalt  }
0x50: {  	_ =	shalt  }
0x51: {  	_ =	shalt  }
0x52: {  	_ =	shalt  }
0x53: {  	_ =	shalt  }
0x54: {  	_ =	shalt  }
0x55: {  	_ =	shalt  }
0x56: {  	_ =	shalt  }
0x57: {  	_ =	shalt  }
0x58: {  	_ =	shalt  }
0x59: {  	_ =	shalt  }
0x5a: {  	_ =	shalt  }
0x5b: {  	_ =	shalt  }
0x5c: {  	_ =	shalt  }
0x5d: {  	_ =	shalt  }
0x5e: {  	_ =	shalt  }
0x5f: {  	_ =	shalt  }
0x60: {  	_ =	shalt  }
0x61: {  	_ =	shalt  }
0x62: {  	_ =	shalt  }
0x63: {  	_ =	shalt  }
0x64: {  	_ =	shalt  }
0x65: {  	_ =	shalt  }
0x66: {  	_ =	shalt  }
0x67: {  	_ =	shalt  }
0x68: {  	_ =	shalt  }
0x69: {  	_ =	shalt  }
0x6a: {  	_ =	shalt  }
0x6b: {  	_ =	shalt  }
0x6c: {  	_ =	shalt  }
0x6d: {  	_ =	shalt  }
0x6e: {  	_ =	shalt  }
0x6f: {  	_ =	shalt  }
0x70: {  	_ =	shalt  }
0x71: {  	_ =	shalt  }
0x72: {  	_ =	shalt  }
0x73: {  	_ =	shalt  }
0x74: {  	_ =	shalt  }
0x75: {  	_ =	shalt  }
0x76: {  	_ =	shalt  }
0x77: {  	_ =	shalt  }
0x78: {  	_ =	shalt  }
0x79: {  	_ =	shalt  }
0x7a: {  	_ =	shalt  }
0x7b: {  	_ =	shalt  }
0x7c: {  	_ =	shalt  }
0x7d: {  	_ =	shalt  }
0x7e: {  	_ =	shalt  }
0x7f: {  	_ =	shalt  }
0x80: {  	_ =	shalt  }
0x81: {  	_ =	shalt  }
0x82: {  	_ =	shalt  }
0x83: {  	_ =	shalt  }
0x84: {  	_ =	shalt  }
0x85: {  	_ =	shalt  }
0x86: {  	_ =	shalt  }
0x87: {  	_ =	shalt  }
.Lfunc_end0:
.L_simem_size_0:
called_computation_lowered:
.L_overlay_start_0:
0x88: {  	s2 =	sld [smem:$0x3FD9]  }
0x89: {  	s3 =	sld [smem:$0x3FFE];
	_ =	sdelay $0x1  }
0x8a: {  	s1 =	srdreg.scid  }
0x8b: {  	s0 =	sand.u32 $0x1, s1  }
0x8c: {  	s17 =	sshll.u32 s0, $0xA;
	s2 =	sadd.s32 s3, s2  }
0x8d: {  	s2 =	sadd.s32 s2, s17  }
0x8e: {  	[smem:$0x3FC6] =	sst s2  }
0x8f: {  	_ = 	snop  }
0x90: {  	s2 =	sld [smem:$0x3FC9]  }
0x91: {  	s18 =	sld [smem:$0x3FD0];
	(tm) =	ssettm $0x1  }
0x92: {  	s4 =	sld [smem:$0x3FFB];
	_ =	sdelay $0x3  }
0x93: {  	_ =	strace s4  }
0x94: {  	s4 =	sld [smem:$0x3FFC];
	_ =	sdelay $0x3  }
0x95: {  	_ =	strace s4  }
0x96: {  	s4 =	sld [smem:$0x3FFD];
	_ =	sdelay $0x3  }
0x97: {  	_ =	strace s4  }
0x98: {  	_ =	strace $0x8FFFFFFF  }
0x99: {  	s19 =	sld [smem:$0x3FDB];
	_ =	sdelay $0x1  }
0x9a: {  	s5 =	simm.s32 $_scs_section_size  }
0x9b: {  	s6 =	simm.s32 $_size__tile_overlayer_lowered;
	s7 =	simm.s32 $_tile_overlayer_lowered  }
0x9c: {  	s22 =	simm.s32 $0x1BFF;
	s21 =	sshll.u32 s7, $0x1;
	s4 =	sadd.s32 s5, s19  }
0x9d: {  	s8 =	simm.s32 $0x0;
	s20 =	sshll.u32 s6, $0x1;
	s6 =	sadd.s32 s21, s4  }
0x9e: {  	[timem:s8], [sflag:s22] =	dma.local [hbm:s6], s20  }
0x9f: {  	_ =	swait.ge [sflag:s22], s20  }
0xa0: {  	s5 =	ssub.s32 $0x0, s20;
	[sflag:s22] =	ssyncset.done $0x0  }
0xa1: {  	[sflag:s22] =	ssyncadd.s32 s5;
	_ =	sdelay $0x1  }
0xa2: {  	s23 =	simm.s32 $0x1B8B  }
0xa3: {  	_ =	swait.ge [sflag:s23], $0x1  }
0xa4: {  	[sflag:s23] =	ssyncset.done $0x0  }
0xa5: {  	s25 =	simm.s32 $0x1B8E;
	s24 =	sld [smem:$0x3FFE];
	[sflag:s23] =	ssyncadd.s32 $0xFFFFFFFF  }
0xa6: {  	s26 =	simm.s32 $execute0_lowered;
	[smem:$0x3FD2] =	sst s25  }
0xa7: {  	s6 =	sshll.u32 s26, $0x1;
	_ =	strace $0x80000046;
	[dreg:$0x1] =	wrdreg $0xFFFFFFFF  }
0xa8: {  	s28 =	simm.s32 $_size_execute0_lowered;
	s4 =	sadd.s32 s4, s6;
	[dreg:$0x0] =	wrdreg $0x0  }
0xa9: {  	s6 =	sshll.u32 s28, $0x1;
	[dreg:$0x2] =	wrdreg s4  }
0xaa: {  	[dreg:$0x3] =	wrdreg s6  }
0xab: {  	[dreg:$0x4] =	wrdreg $0xC0  }
0xac: {  	_ =	task [dreg:s8], $0x5FFFF  }
0xad: {  	[dreg:$0x1] =	wrdreg $0xFFFFFFFF  }
0xae: {  	[dreg:$0x0] =	wrdreg $0x60  }
0xaf: {  	[dreg:$0x2] =	wrdreg s2  }
0xb0: {  	[dreg:$0x3] =	wrdreg s24  }
0xb1: {  	[dreg:$0x4] =	wrdreg s18  }
0xb2: {  	[dreg:$0x5] =	wrdreg $0x9  }
0xb3: {  	_ =	task.clear_ibuf [dreg:s8], $0x6FFFF;
	_ =	strace $0x90000046  }
0xb4: {  	s29 =	simm.s32 $0x9;
	_ =	strace $0x80000048  }
0xb5: {  	_ =	swait.ge [sflag:s29], $0x1  }
0xb6: {  	[sflag:s29] =	ssyncadd.s32 $0xFFFFFFFF  }
0xb7: {  	_ =	strace $0x90000048  }
0xb8: {  	_ =	sfence  }
0xb9: {  	s30 =	sld [smem:$0x0];
	_ =	sdelay $0x2  }
0xba: {  	s31 =	sshll.u32 s1, $0xD;
	s1 =	sshrl.u32 s1, $0x2  }
0xbb: {  	s3 =	sand.u32 $0x4000, s31;
	s1 =	sadd.s32 s1, s30  }
0xbc: {  	s0 =	sor.u32 s3, s0;
	s1 =	sshll.u32 s1, $0x11  }
0xbd: {  	s0 =	sor.u32 s1, s0  }
0xbe: {  	s0 =	sadd.s32 $0x8F2B, s0  }
0xbf: {  	[sflag:s0] =	ssyncadd.remote.s32 $0x1  }
0xc0: {  	_ =	sfence.sel $0xFFFF  }
0xc1: {  	[dreg:$0x0] =	wrdreg $0xFFFFFFFF;
	(pc) =	sbr.abs _section_cstart, $3  }
0xc2: {  	[dreg:$0x1] =	wrdreg $0xFFFFFFFF  }
0xc3: {  	_ =	task.clear_ibuf [dreg:s8], $0x2FFFF;
	_ =	strace $0x9FFFFFFF  }
0xc4: {  	(tm) =	ssettm $0x7FFFFFFF  }
0xc5: {  	_ =	shalt  }
tec
execute0_lowered:
.L_overlay_start_1:
0x0: {  	(tag) =	ssettag $0x1  }
0x1: {  	s0 =	rddreg [dreg:$0x1]  }
0x2: {  	s3 =	rddreg [dreg:$0x2];
	s4 =	simm.s32 $0x0;
	s1 =	srdreg.scid  }
0x3: {  	s2 =	stileid.u32;
	s14 =	simm.s32 $0x1;
	s15 =	simm.s32 $0x80  }
0x4: {  	s16 =	simm.s32 $0x400;
	s17 =	simm.s32 $0x5;
	s18 =	simm.s32 $0x18700  }
0x5: {  	s19 =	simm.s32 $0x19700;
	s20 =	simm.s32 $0x2;
	s21 =	simm.s32 $0x1A700  }
0x6: {  	s22 =	simm.s32 $0x1B700;
	s23 =	simm.s32 $0x1C700;
	s24 =	simm.s32 $0x1D700  }
0x7: {  	s25 =	simm.s32 $0x3;
	[smem:$0x7FF] =	sst s4;
	s1 =	sand.u32 $0x1, s1  }
0x8: {  	s2 =	sshll.u32 s2, $0x1;
	s26 =	sadd.s32 $0x400, s0;
	s30 =	sadd.s32 $0x600, s0  }
0x9: {  	s9 =	sadd.s32 $0x800, s0;
	s11 =	sadd.s32 $0xA00, s0;
	_ =	strace $0x80000047  }
0xa: {  	s5 =	ssub.s32 $0x2, s1;
	s6 =	sor.u32 s1, s2;
	[dreg:$0x4] =	wrdreg s26  }
0xb: {  	[dreg:$0x6] =	wrdreg s30;
	s26 =	simm.s32 $0x4;
	s28 =	sshrl.u32 s5, $0x1  }
0xc: {  	s2 =	sshll.u32 s6, $0x7;
	s8 =	smov.u32 s6;
	s29 =	sand.u32 $0x7, s6  }
0xd: {  	s1 =	ssub.s32 s5, s28;
	s2 =	sand.u32 $0x380, s2;
	s10 =	sshll.u32 s29, $0x7  }
0xe: {  	p0 =	sne.s32 s29, $0x0;
	[dreg:$0x5] =	wrdreg s2;
	s31 =	smax.u32 s1, $0x1  }
0xf: {  	s12 =	sor.u32 $0xC00000, s10;
	s1 =	simm.s32 $0x0;
	[dreg:$0x7] =	wrdreg s31  }
.LBB2_1:
0x10: {  	[dreg:$0x8] =	wrdreg s1;
	p2 =	por $0x1, $0x1;
	s0 =	simm.s32 $0x0  }
.LBB2_2:
0x11: {  	s0 =	sor.u32 s8, s0  }
0x12: {  	s1 =	sshrl.u32 s0, $0x3  }
0x13: {  	s2 =	smul.u32 $0xC3800, s1  }
0x14: {  	s5 =	rddreg [dreg:$0x5]  }
0x15: {  	s2 =	sor.u32 s5, s2  }
0x16: {  	s7 =	rddreg [dreg:$0x0];
	p1 =	seq.s32 s0, $0x0;
	s2 =	sshrl.u32 s2, $0x3  }
0x17: {  	s30 =	simm.s32 $0x0;
	p1 =	por !p0, !p1;
	s0 =	sadd.s32 s7, s2  }
0x18: {  	[tilespmem:s30], [sflag:$0x5] =	stream.strided.gather [hbm4b:s0+s15], $0x18700, s16, s15, $0x38;
	[tilespmem:$0x1E700] =	vst v63  }
0x19: {  	p1 =	por !p1, !p1;
	s0 =	simm.s32 $0x1  }
0x1a: {  	_ =	swait.ge [sflag:s17], $0x18700;
	s0 =	simm.s32 @!p1 $0x0  }
0x1b: {  	[sflag:s17] =	ssyncset.done $0x0;
	s0 =	ssub.s32 s1, s0  }
0x1c: {  	s13 =	rddreg [dreg:$0x4];
	[sflag:s17] =	ssyncadd.s32 $0xFFFE7900;
	s29 =	sshll.u32 s0, $0xF  }
0x1d: {  	[tilespmem:s18], [sflag:$0x1] =	stream.linear.gather [hbm4b:s13+s30], $0x1000, $0x38;
	[tilespmem:$0x1E700] =	vst v63  }
0x1e: {  	p1 =	por p2, p2;
	s28 =	rddreg [dreg:$0x6];
	s31 =	sor.u32 s10, s29  }
0x1f: {  	[tilespmem:s19], [sflag:$0x2] =	stream.linear.gather [hbm4b:s28+s30], $0x1000, $0x38;
	[tilespmem:$0x1E700] =	vst v63  }
.LBB2_3:
0x20: {  	p2 =	seq.s32 s30, $0x0  }
0x21: {  	s0 =	simm.s32 @!p2 $0x3  }
0x22: {  	_ =	swait.ge @!p2 [sflag:s0], $0x2000  }
0x23: {  	[sflag:s0] =	ssyncset.done @!p2 $0x0  }
0x24: {  	[sflag:s0] =	ssyncadd.s32 @!p2 $0xFFFFE000  }
0x25: {  	_ =	swait.ge [sflag:s14], $0x1000  }
0x26: {  	[sflag:s14] =	ssyncset.done $0x0  }
0x27: {  	s0 =	simm.s32 $0x0;
	[sflag:s14] =	ssyncadd.s32 $0xFFFFF000  }
0x28: {  	v0 =	vld [tilespmem:s0+$0x18700];
	_ =	sdelay $0x6  }
0x29: {  	v1 =	vld [tilespmem:s0+$0x18710]  }
0x2a: {  	v0 =	vld.idx.msk [tilespmem:v0+s4+$0x0], $0xffff;
	_ =	sdelay $0x1  }
0x2b: {  	s2 =	simm.s32 $0x80  }
0x2c: {  	v2 =	vld [tilespmem:s2+$0x18700];
	_ =	sdelay $0x1  }
0x2d: {  	[tilespmem:s0+$0x1A700] =	vst v0;
	v0 =	vld [tilespmem:s0+$0x18720];
	_ =	sdelay $0x1  }
0x2e: {  	v1 =	vld.idx.msk [tilespmem:v1+s4+$0x0], $0xffff;
	_ =	sdelay $0x2  }
0x2f: {  	v3 =	vld [tilespmem:s2+$0x18710]  }
0x30: {  	v2 =	vld.idx.msk [tilespmem:v2+s4+$0x0], $0xffff  }
0x31: {  	[tilespmem:s0+$0x1A710] =	vst v1;
	v1 =	vld [tilespmem:s0+$0x18730]  }
0x32: {  	v0 =	vld.idx.msk [tilespmem:v0+s4+$0x0], $0xffff;
	_ =	sdelay $0x3  }
0x33: {  	[tilespmem:s2+$0x1A700] =	vst v2;
	v2 =	vld [tilespmem:s2+$0x18720]  }
0x34: {  	[tilespmem:s0+$0x1A720] =	vst v0;
	v0 =	vld [tilespmem:s0+$0x18740]  }
0x35: {  	v3 =	vld.idx.msk [tilespmem:v3+s4+$0x0], $0xffff  }
0x36: {  	s13 =	simm.s32 $0x100;
	v1 =	vld.idx.msk [tilespmem:v1+s4+$0x0], $0xffff  }
0x37: {  	v4 =	vld [tilespmem:s13+$0x18700];
	_ =	sdelay $0x2  }
0x38: {  	[tilespmem:s2+$0x1A710] =	vst v3;
	v3 =	vld [tilespmem:s2+$0x18730]  }
0x39: {  	[tilespmem:s0+$0x1A730] =	vst v1;
	v1 =	vld [tilespmem:s0+$0x18750]  }
0x3a: {  	v0 =	vld.idx.msk [tilespmem:v0+s4+$0x0], $0xffff  }
0x3b: {  	v2 =	vld.idx.msk [tilespmem:v2+s4+$0x0], $0xffff  }
0x3c: {  	v5 =	vld [tilespmem:s13+$0x18710]  }
0x3d: {  	v4 =	vld.idx.msk [tilespmem:v4+s4+$0x0], $0xffff;
	_ =	sdelay $0x1  }
0x3e: {  	[tilespmem:s0+$0x1A740] =	vst v0;
	v0 =	vld [tilespmem:s0+$0x18760]  }
0x3f: {  	[tilespmem:s2+$0x1A720] =	vst v2;
	v2 =	vld [tilespmem:s2+$0x18740]  }
0x40: {  	v1 =	vld.idx.msk [tilespmem:v1+s4+$0x0], $0xffff  }
0x41: {  	[tilespmem:s13+$0x1A700] =	vst v4;
	v4 =	vld [tilespmem:s13+$0x18720]  }
0x42: {  	v3 =	vld.idx.msk [tilespmem:v3+s4+$0x0], $0xffff  }
0x43: {  	s1 =	simm.s32 $0x180;
	s6 =	simm.s32 $0x800;
	v5 =	vld.idx.msk [tilespmem:v5+s4+$0x0], $0xffff  }
.LBB2_4:
0x44: {  	p3 =	sne.s32 s6, $0x3E00;
	v6 =	vld [tilespmem:s1+$0x18700];
	s5 =	smov.u32 s2;
	s2 =	smov.u32 s13  }
0x45: {  	s13 =	smov.u32 s1;
	[tilespmem:s0+$0x1A750] =	vst v1;
	v1 =	vld [tilespmem:s0+$0x18770]  }
0x46: {  	v0 =	vld.idx.msk [tilespmem:v0+s4+$0x0], $0xffff  }
0x47: {  	[tilespmem:s5+$0x1A730] =	vst v3;
	v3 =	vld [tilespmem:s5+$0x18750]  }
0x48: {  	v2 =	vld.idx.msk [tilespmem:v2+s4+$0x0], $0xffff  }
0x49: {  	[tilespmem:s2+$0x1A710] =	vst v5;
	v5 =	vld [tilespmem:s2+$0x18730]  }
0x4a: {  	v4 =	vld.idx.msk [tilespmem:v4+s4+$0x0], $0xffff  }
0x4b: {  	v7 =	vld [tilespmem:s13+$0x18710]  }
0x4c: {  	v6 =	vld.idx.msk [tilespmem:v6+s4+$0x0], $0xffff;
	[tilespmem:s0+$0x1A760] =	vst v0  }
0x4d: {  	v8 =	vld.idx.msk [tilespmem:v1+s4+$0x0], $0xffff  }
0x4e: {  	[tilespmem:s5+$0x1A740] =	vst v2;
	v0 =	vld [tilespmem:s5+$0x18760]  }
.Ltmp0:
0x4f: {  	v1 =	vld.idx.msk [tilespmem:v3+s4+$0x0], $0xffff;
	(pc) =	sbr.rel @p3 .LBB2_4-.Ltmp0, $4  }
0x50: {  	[tilespmem:s2+$0x1A720] =	vst v4;
	v2 =	vld [tilespmem:s2+$0x18740]  }
0x51: {  	v3 =	vld.idx.msk [tilespmem:v5+s4+$0x0], $0xffff  }
0x52: {  	[tilespmem:s13+$0x1A700] =	vst v6;
	v4 =	vld [tilespmem:s13+$0x18720]  }
0x53: {  	s1 =	sshra.s32 s6, $0x2;
	s6 =	sadd.s32 $0x200, s6;
	v5 =	vld.idx.msk [tilespmem:v7+s4+$0x0], $0xffff;
	[tilespmem:s0+$0x1A770] =	vst v8;
	s0 =	smov.u32 s5  }
0x54: {  	v6 =	vld [tilespmem:s1+$0x18700];
	_ =	sdelay $0x5  }
0x55: {  	v7 =	vld [tilespmem:s1+$0x18710];
	_ =	sdelay $0x1  }
0x56: {  	v6 =	vld.idx.msk [tilespmem:v6+s4+$0x0], $0xffff;
	_ =	sdelay $0x4  }
0x57: {  	[tilespmem:s1+$0x1A700] =	vst v6;
	v6 =	vld [tilespmem:s1+$0x18720]  }
0x58: {  	v7 =	vld.idx.msk [tilespmem:v7+s4+$0x0], $0xffff;
	_ =	sdelay $0x1  }
0x59: {  	[tilespmem:s13+$0x1A710] =	vst v5;
	v5 =	vld [tilespmem:s13+$0x18730]  }
0x5a: {  	v4 =	vld.idx.msk [tilespmem:v4+s4+$0x0], $0xffff;
	_ =	sdelay $0x1  }
0x5b: {  	[tilespmem:s1+$0x1A710] =	vst v7;
	v7 =	vld [tilespmem:s1+$0x18730];
	_ =	sdelay $0x1  }
0x5c: {  	v6 =	vld.idx.msk [tilespmem:v6+s4+$0x0], $0xffff  }
0x5d: {  	[tilespmem:s13+$0x1A720] =	vst v4;
	v4 =	vld [tilespmem:s13+$0x18740]  }
0x5e: {  	[tilespmem:s2+$0x1A730] =	vst v3;
	v3 =	vld [tilespmem:s2+$0x18750]  }
0x5f: {  	v5 =	vld.idx.msk [tilespmem:v5+s4+$0x0], $0xffff  }
0x60: {  	v2 =	vld.idx.msk [tilespmem:v2+s4+$0x0], $0xffff  }
0x61: {  	[tilespmem:s1+$0x1A720] =	vst v6;
	v6 =	vld [tilespmem:s1+$0x18740]  }
0x62: {  	v7 =	vld.idx.msk [tilespmem:v7+s4+$0x0], $0xffff;
	_ =	sdelay $0x1  }
0x63: {  	[tilespmem:s13+$0x1A730] =	vst v5;
	v5 =	vld [tilespmem:s13+$0x18750]  }
0x64: {  	v4 =	vld.idx.msk [tilespmem:v4+s4+$0x0], $0xffff  }
0x65: {  	[tilespmem:s2+$0x1A740] =	vst v2;
	v2 =	vld [tilespmem:s2+$0x18760]  }
0x66: {  	[tilespmem:s1+$0x1A730] =	vst v7;
	v7 =	vld [tilespmem:s1+$0x18750]  }
0x67: {  	v3 =	vld.idx.msk [tilespmem:v3+s4+$0x0], $0xffff  }
0x68: {  	v6 =	vld.idx.msk [tilespmem:v6+s4+$0x0], $0xffff  }
0x69: {  	[tilespmem:s13+$0x1A740] =	vst v4;
	v4 =	vld [tilespmem:s13+$0x18760];
	_ =	sdelay $0x1  }
0x6a: {  	v5 =	vld.idx.msk [tilespmem:v5+s4+$0x0], $0xffff  }
0x6b: {  	[tilespmem:s2+$0x1A750] =	vst v3;
	v3 =	vld [tilespmem:s2+$0x18770]  }
0x6c: {  	[tilespmem:s1+$0x1A740] =	vst v6;
	v6 =	vld [tilespmem:s1+$0x18760]  }
0x6d: {  	[tilespmem:s0+$0x1A750] =	vst v1;
	v1 =	vld.idx.msk [tilespmem:v7+s4+$0x0], $0xffff  }
0x6e: {  	v2 =	vld.idx.msk [tilespmem:v2+s4+$0x0], $0xffff  }
0x6f: {  	[tilespmem:s13+$0x1A750] =	vst v5;
	v5 =	vld [tilespmem:s13+$0x18770]  }
0x70: {  	v4 =	vld.idx.msk [tilespmem:v4+s4+$0x0], $0xffff  }
0x71: {  	v7 =	vld [tilespmem:s0+$0x18770]  }
0x72: {  	[tilespmem:s1+$0x1A750] =	vst v1;
	v1 =	vld [tilespmem:s1+$0x18770]  }
0x73: {  	v0 =	vld.idx.msk [tilespmem:v0+s4+$0x0], $0xffff  }
0x74: {  	v6 =	vld.idx.msk [tilespmem:v6+s4+$0x0], $0xffff;
	_ =	sdelay $0x1  }
0x75: {  	[tilespmem:s2+$0x1A760] =	vst v2  }
0x76: {  	v2 =	vld.idx.msk [tilespmem:v3+s4+$0x0], $0xffff;
	[tilespmem:s13+$0x1A760] =	vst v4  }
0x77: {  	[tilespmem:s0+$0x1A760] =	vst v0;
	v3 =	vld.idx.msk [tilespmem:v5+s4+$0x0], $0xffff  }
0x78: {  	v0 =	vld.idx.msk [tilespmem:v7+s4+$0x0], $0xffff;
	[tilespmem:s1+$0x1A760] =	vst v6  }
0x79: {  	v1 =	vld.idx.msk [tilespmem:v1+s4+$0x0], $0xffff;
	_ =	sdelay $0x1  }
0x7a: {  	[tilespmem:s2+$0x1A770] =	vst v2  }
0x7b: {  	[tilespmem:s13+$0x1A770] =	vst v3  }
0x7c: {  	[tilespmem:s0+$0x1A770] =	vst v0;
	s0 =	sshll.u32 s30, $0xB  }
0x7d: {  	s13 =	simm.s32 $0x0;
	s7 =	sadd.s32 s0, s9;
	[tilespmem:s1+$0x1A770] =	vst v1  }
0x7e: {  	[tilespmem:s18], [sflag:$0x1] =	stream.linear.gather [hbm4b:s7+s13], $0x1000, $0x38;
	[tilespmem:$0x1E700] =	vst v63  }
0x7f: {  	_ =	swait.ge [sflag:s20], $0x1000  }
0x80: {  	[sflag:s20] =	ssyncset.done $0x0  }
0x81: {  	s2 =	simm.s32 $0x0;
	[sflag:s20] =	ssyncadd.s32 $0xFFFFF000  }
0x82: {  	v0 =	vld [tilespmem:s2+$0x19700];
	_ =	sdelay $0x6  }
0x83: {  	v1 =	vld [tilespmem:s2+$0x19710]  }
0x84: {  	v0 =	vld.idx.msk [tilespmem:v0+s4+$0x0], $0xffff;
	_ =	sdelay $0x1  }
0x85: {  	s13 =	simm.s32 $0x80  }
0x86: {  	v2 =	vld [tilespmem:s13+$0x19700];
	_ =	sdelay $0x1  }
0x87: {  	[tilespmem:s2+$0x1B700] =	vst v0;
	v0 =	vld [tilespmem:s2+$0x19720];
	_ =	sdelay $0x1  }
0x88: {  	v1 =	vld.idx.msk [tilespmem:v1+s4+$0x0], $0xffff;
	_ =	sdelay $0x2  }
0x89: {  	v3 =	vld [tilespmem:s13+$0x19710]  }
0x8a: {  	v2 =	vld.idx.msk [tilespmem:v2+s4+$0x0], $0xffff  }
0x8b: {  	[tilespmem:s2+$0x1B710] =	vst v1;
	v1 =	vld [tilespmem:s2+$0x19730]  }
0x8c: {  	v0 =	vld.idx.msk [tilespmem:v0+s4+$0x0], $0xffff;
	_ =	sdelay $0x3  }
0x8d: {  	[tilespmem:s13+$0x1B700] =	vst v2;
	v2 =	vld [tilespmem:s13+$0x19720]  }
0x8e: {  	[tilespmem:s2+$0x1B720] =	vst v0;
	v0 =	vld [tilespmem:s2+$0x19740]  }
0x8f: {  	v3 =	vld.idx.msk [tilespmem:v3+s4+$0x0], $0xffff  }
0x90: {  	s28 =	simm.s32 $0x100;
	v1 =	vld.idx.msk [tilespmem:v1+s4+$0x0], $0xffff  }
0x91: {  	v4 =	vld [tilespmem:s28+$0x19700];
	_ =	sdelay $0x2  }
0x92: {  	[tilespmem:s13+$0x1B710] =	vst v3;
	v3 =	vld [tilespmem:s13+$0x19730]  }
0x93: {  	[tilespmem:s2+$0x1B730] =	vst v1;
	v1 =	vld [tilespmem:s2+$0x19750]  }
0x94: {  	v0 =	vld.idx.msk [tilespmem:v0+s4+$0x0], $0xffff  }
0x95: {  	v2 =	vld.idx.msk [tilespmem:v2+s4+$0x0], $0xffff  }
0x96: {  	v5 =	vld [tilespmem:s28+$0x19710]  }
0x97: {  	v4 =	vld.idx.msk [tilespmem:v4+s4+$0x0], $0xffff;
	_ =	sdelay $0x1  }
0x98: {  	[tilespmem:s2+$0x1B740] =	vst v0;
	v0 =	vld [tilespmem:s2+$0x19760]  }
0x99: {  	[tilespmem:s13+$0x1B720] =	vst v2;
	v2 =	vld [tilespmem:s13+$0x19740]  }
0x9a: {  	v1 =	vld.idx.msk [tilespmem:v1+s4+$0x0], $0xffff  }
0x9b: {  	[tilespmem:s28+$0x1B700] =	vst v4;
	v4 =	vld [tilespmem:s28+$0x19720]  }
0x9c: {  	v3 =	vld.idx.msk [tilespmem:v3+s4+$0x0], $0xffff  }
0x9d: {  	s6 =	simm.s32 $0x800;
	s1 =	simm.s32 $0x180;
	v5 =	vld.idx.msk [tilespmem:v5+s4+$0x0], $0xffff  }
.LBB2_6:
0x9e: {  	p3 =	sne.s32 s6, $0x3E00;
	v6 =	vld [tilespmem:s1+$0x19700];
	s5 =	smov.u32 s13;
	s13 =	smov.u32 s28  }
0x9f: {  	s28 =	smov.u32 s1;
	[tilespmem:s2+$0x1B750] =	vst v1;
	v1 =	vld [tilespmem:s2+$0x19770]  }
0xa0: {  	v0 =	vld.idx.msk [tilespmem:v0+s4+$0x0], $0xffff  }
0xa1: {  	[tilespmem:s5+$0x1B730] =	vst v3;
	v3 =	vld [tilespmem:s5+$0x19750]  }
0xa2: {  	v2 =	vld.idx.msk [tilespmem:v2+s4+$0x0], $0xffff  }
0xa3: {  	[tilespmem:s13+$0x1B710] =	vst v5;
	v5 =	vld [tilespmem:s13+$0x19730]  }
0xa4: {  	v4 =	vld.idx.msk [tilespmem:v4+s4+$0x0], $0xffff  }
0xa5: {  	v7 =	vld [tilespmem:s28+$0x19710]  }
0xa6: {  	v6 =	vld.idx.msk [tilespmem:v6+s4+$0x0], $0xffff;
	[tilespmem:s2+$0x1B760] =	vst v0  }
0xa7: {  	v8 =	vld.idx.msk [tilespmem:v1+s4+$0x0], $0xffff  }
0xa8: {  	[tilespmem:s5+$0x1B740] =	vst v2;
	v0 =	vld [tilespmem:s5+$0x19760]  }
.Ltmp1:
0xa9: {  	v1 =	vld.idx.msk [tilespmem:v3+s4+$0x0], $0xffff;
	(pc) =	sbr.rel @p3 .LBB2_6-.Ltmp1, $4  }
0xaa: {  	[tilespmem:s13+$0x1B720] =	vst v4;
	v2 =	vld [tilespmem:s13+$0x19740]  }
0xab: {  	v3 =	vld.idx.msk [tilespmem:v5+s4+$0x0], $0xffff  }
0xac: {  	[tilespmem:s28+$0x1B700] =	vst v6;
	v4 =	vld [tilespmem:s28+$0x19720]  }
0xad: {  	s1 =	sshra.s32 s6, $0x2;
	s6 =	sadd.s32 $0x200, s6;
	v5 =	vld.idx.msk [tilespmem:v7+s4+$0x0], $0xffff;
	[tilespmem:s2+$0x1B770] =	vst v8;
	s2 =	smov.u32 s5  }
0xae: {  	v6 =	vld [tilespmem:s1+$0x19700];
	_ =	sdelay $0x5  }
0xaf: {  	v7 =	vld [tilespmem:s1+$0x19710];
	_ =	sdelay $0x1  }
0xb0: {  	v6 =	vld.idx.msk [tilespmem:v6+s4+$0x0], $0xffff;
	_ =	sdelay $0x4  }
0xb1: {  	[tilespmem:s1+$0x1B700] =	vst v6;
	v6 =	vld [tilespmem:s1+$0x19720]  }
0xb2: {  	v7 =	vld.idx.msk [tilespmem:v7+s4+$0x0], $0xffff;
	_ =	sdelay $0x1  }
0xb3: {  	[tilespmem:s28+$0x1B710] =	vst v5;
	v5 =	vld [tilespmem:s28+$0x19730]  }
0xb4: {  	v4 =	vld.idx.msk [tilespmem:v4+s4+$0x0], $0xffff;
	_ =	sdelay $0x1  }
0xb5: {  	[tilespmem:s1+$0x1B710] =	vst v7;
	v7 =	vld [tilespmem:s1+$0x19730];
	_ =	sdelay $0x1  }
0xb6: {  	v6 =	vld.idx.msk [tilespmem:v6+s4+$0x0], $0xffff  }
0xb7: {  	[tilespmem:s28+$0x1B720] =	vst v4;
	v4 =	vld [tilespmem:s28+$0x19740]  }
0xb8: {  	[tilespmem:s13+$0x1B730] =	vst v3;
	v3 =	vld [tilespmem:s13+$0x19750]  }
0xb9: {  	v5 =	vld.idx.msk [tilespmem:v5+s4+$0x0], $0xffff  }
0xba: {  	v2 =	vld.idx.msk [tilespmem:v2+s4+$0x0], $0xffff  }
0xbb: {  	[tilespmem:s1+$0x1B720] =	vst v6;
	v6 =	vld [tilespmem:s1+$0x19740]  }
0xbc: {  	v7 =	vld.idx.msk [tilespmem:v7+s4+$0x0], $0xffff;
	_ =	sdelay $0x1  }
0xbd: {  	[tilespmem:s28+$0x1B730] =	vst v5;
	v5 =	vld [tilespmem:s28+$0x19750]  }
0xbe: {  	v4 =	vld.idx.msk [tilespmem:v4+s4+$0x0], $0xffff  }
0xbf: {  	[tilespmem:s13+$0x1B740] =	vst v2;
	v2 =	vld [tilespmem:s13+$0x19760]  }
0xc0: {  	[tilespmem:s1+$0x1B730] =	vst v7;
	v7 =	vld [tilespmem:s1+$0x19750]  }
0xc1: {  	v3 =	vld.idx.msk [tilespmem:v3+s4+$0x0], $0xffff  }
0xc2: {  	v6 =	vld.idx.msk [tilespmem:v6+s4+$0x0], $0xffff  }
0xc3: {  	[tilespmem:s28+$0x1B740] =	vst v4;
	v4 =	vld [tilespmem:s28+$0x19760];
	_ =	sdelay $0x1  }
0xc4: {  	v5 =	vld.idx.msk [tilespmem:v5+s4+$0x0], $0xffff  }
0xc5: {  	[tilespmem:s13+$0x1B750] =	vst v3;
	v3 =	vld [tilespmem:s13+$0x19770]  }
0xc6: {  	[tilespmem:s1+$0x1B740] =	vst v6;
	v6 =	vld [tilespmem:s1+$0x19760]  }
0xc7: {  	[tilespmem:s2+$0x1B750] =	vst v1;
	v1 =	vld.idx.msk [tilespmem:v7+s4+$0x0], $0xffff  }
0xc8: {  	v2 =	vld.idx.msk [tilespmem:v2+s4+$0x0], $0xffff  }
0xc9: {  	[tilespmem:s28+$0x1B750] =	vst v5;
	v5 =	vld [tilespmem:s28+$0x19770]  }
0xca: {  	v4 =	vld.idx.msk [tilespmem:v4+s4+$0x0], $0xffff  }
0xcb: {  	v7 =	vld [tilespmem:s2+$0x19770]  }
0xcc: {  	[tilespmem:s1+$0x1B750] =	vst v1;
	v1 =	vld [tilespmem:s1+$0x19770]  }
0xcd: {  	v0 =	vld.idx.msk [tilespmem:v0+s4+$0x0], $0xffff  }
0xce: {  	v6 =	vld.idx.msk [tilespmem:v6+s4+$0x0], $0xffff;
	_ =	sdelay $0x1  }
0xcf: {  	[tilespmem:s13+$0x1B760] =	vst v2  }
0xd0: {  	v2 =	vld.idx.msk [tilespmem:v3+s4+$0x0], $0xffff;
	[tilespmem:s28+$0x1B760] =	vst v4  }
0xd1: {  	[tilespmem:s2+$0x1B760] =	vst v0;
	v3 =	vld.idx.msk [tilespmem:v5+s4+$0x0], $0xffff  }
0xd2: {  	v0 =	vld.idx.msk [tilespmem:v7+s4+$0x0], $0xffff;
	[tilespmem:s1+$0x1B760] =	vst v6  }
0xd3: {  	v1 =	vld.idx.msk [tilespmem:v1+s4+$0x0], $0xffff;
	_ =	sdelay $0x1  }
0xd4: {  	[tilespmem:s13+$0x1B770] =	vst v2  }
0xd5: {  	[tilespmem:s28+$0x1B770] =	vst v3  }
0xd6: {  	[tilespmem:s2+$0x1B770] =	vst v0  }
0xd7: {  	s0 =	sadd.s32 s0, s11;
	s13 =	sshll.u32 s30, $0x14;
	[tilespmem:s1+$0x1B770] =	vst v1  }
0xd8: {  	[tilespmem:s19], [sflag:$0x2] =	stream.linear.gather [hbm4b:s0+s4], $0x1000, $0x38;
	[tilespmem:$0x1E700] =	vst v63  }
0xd9: {  	s0 =	sadd.s32 s31, s13  }
0xda: {  	s0 =	sshrl.u32 s0, $0x3  }
0xdb: {  	s0 =	sadd.s32 s3, s0  }
0xdc: {  	[hbm4b:s0+s15] =	stream.strided.scatter [tilespmem:s21], [sflag:$0x3], $0x1000, s16, s15, $0x38;
	[tilespmem:$0x1E700] =	vst v63  }
0xdd: {  	s0 =	sadd.s32 $0x8000, s0  }
0xde: {  	[hbm4b:s0+s15] =	stream.strided.scatter [tilespmem:s22], [sflag:$0x3], $0x1000, s16, s15, $0x38;
	[tilespmem:$0x1E700] =	vst v63  }
0xdf: {  	s0 =	simm.s32 @!p2 $0x4  }
0xe0: {  	_ =	swait.ge @!p2 [sflag:s0], $0x2000  }
0xe1: {  	[sflag:s0] =	ssyncset.done @!p2 $0x0  }
0xe2: {  	[sflag:s0] =	ssyncadd.s32 @!p2 $0xFFFFE000  }
0xe3: {  	_ =	swait.ge [sflag:s14], $0x1000  }
0xe4: {  	[sflag:s14] =	ssyncset.done $0x0  }
0xe5: {  	s2 =	simm.s32 $0x0;
	[sflag:s14] =	ssyncadd.s32 $0xFFFFF000  }
0xe6: {  	v0 =	vld [tilespmem:s2+$0x18700];
	_ =	sdelay $0x6  }
0xe7: {  	v1 =	vld [tilespmem:s2+$0x18710]  }
0xe8: {  	v0 =	vld.idx.msk [tilespmem:v0+s4+$0x0], $0xffff;
	_ =	sdelay $0x1  }
0xe9: {  	s13 =	simm.s32 $0x80  }
0xea: {  	v2 =	vld [tilespmem:s13+$0x18700];
	_ =	sdelay $0x1  }
0xeb: {  	[tilespmem:s2+$0x1C700] =	vst v0;
	v0 =	vld [tilespmem:s2+$0x18720];
	_ =	sdelay $0x1  }
0xec: {  	v1 =	vld.idx.msk [tilespmem:v1+s4+$0x0], $0xffff;
	_ =	sdelay $0x2  }
0xed: {  	v3 =	vld [tilespmem:s13+$0x18710]  }
0xee: {  	v2 =	vld.idx.msk [tilespmem:v2+s4+$0x0], $0xffff  }
0xef: {  	[tilespmem:s2+$0x1C710] =	vst v1;
	v1 =	vld [tilespmem:s2+$0x18730]  }
0xf0: {  	v0 =	vld.idx.msk [tilespmem:v0+s4+$0x0], $0xffff;
	_ =	sdelay $0x3  }
0xf1: {  	[tilespmem:s13+$0x1C700] =	vst v2;
	v2 =	vld [tilespmem:s13+$0x18720]  }
0xf2: {  	[tilespmem:s2+$0x1C720] =	vst v0;
	v0 =	vld [tilespmem:s2+$0x18740]  }
0xf3: {  	v3 =	vld.idx.msk [tilespmem:v3+s4+$0x0], $0xffff  }
0xf4: {  	s28 =	simm.s32 $0x100;
	v1 =	vld.idx.msk [tilespmem:v1+s4+$0x0], $0xffff  }
0xf5: {  	v4 =	vld [tilespmem:s28+$0x18700];
	_ =	sdelay $0x2  }
0xf6: {  	[tilespmem:s13+$0x1C710] =	vst v3;
	v3 =	vld [tilespmem:s13+$0x18730]  }
0xf7: {  	[tilespmem:s2+$0x1C730] =	vst v1;
	v1 =	vld [tilespmem:s2+$0x18750]  }
0xf8: {  	v0 =	vld.idx.msk [tilespmem:v0+s4+$0x0], $0xffff  }
0xf9: {  	v2 =	vld.idx.msk [tilespmem:v2+s4+$0x0], $0xffff  }
0xfa: {  	v5 =	vld [tilespmem:s28+$0x18710]  }
0xfb: {  	v4 =	vld.idx.msk [tilespmem:v4+s4+$0x0], $0xffff;
	_ =	sdelay $0x1  }
0xfc: {  	[tilespmem:s2+$0x1C740] =	vst v0;
	v0 =	vld [tilespmem:s2+$0x18760]  }
0xfd: {  	[tilespmem:s13+$0x1C720] =	vst v2;
	v2 =	vld [tilespmem:s13+$0x18740]  }
0xfe: {  	v1 =	vld.idx.msk [tilespmem:v1+s4+$0x0], $0xffff  }
0xff: {  	[tilespmem:s28+$0x1C700] =	vst v4;
	v4 =	vld [tilespmem:s28+$0x18720]  }
0x100: {  	v3 =	vld.idx.msk [tilespmem:v3+s4+$0x0], $0xffff  }
0x101: {  	s6 =	simm.s32 $0x800;
	s1 =	simm.s32 $0x180;
	s0 =	sshllo.u32 s30, $0x1;
	v5 =	vld.idx.msk [tilespmem:v5+s4+$0x0], $0xffff  }
.LBB2_8:
0x102: {  	p2 =	sne.s32 s6, $0x3E00;
	v6 =	vld [tilespmem:s1+$0x18700];
	s5 =	smov.u32 s13;
	s13 =	smov.u32 s28  }
0x103: {  	s28 =	smov.u32 s1;
	[tilespmem:s2+$0x1C750] =	vst v1;
	v1 =	vld [tilespmem:s2+$0x18770]  }
0x104: {  	v0 =	vld.idx.msk [tilespmem:v0+s4+$0x0], $0xffff  }
0x105: {  	[tilespmem:s5+$0x1C730] =	vst v3;
	v3 =	vld [tilespmem:s5+$0x18750]  }
0x106: {  	v2 =	vld.idx.msk [tilespmem:v2+s4+$0x0], $0xffff  }
0x107: {  	[tilespmem:s13+$0x1C710] =	vst v5;
	v5 =	vld [tilespmem:s13+$0x18730]  }
0x108: {  	v4 =	vld.idx.msk [tilespmem:v4+s4+$0x0], $0xffff  }
0x109: {  	v7 =	vld [tilespmem:s28+$0x18710]  }
0x10a: {  	v6 =	vld.idx.msk [tilespmem:v6+s4+$0x0], $0xffff;
	[tilespmem:s2+$0x1C760] =	vst v0  }
0x10b: {  	v8 =	vld.idx.msk [tilespmem:v1+s4+$0x0], $0xffff  }
0x10c: {  	[tilespmem:s5+$0x1C740] =	vst v2;
	v0 =	vld [tilespmem:s5+$0x18760]  }
.Ltmp2:
0x10d: {  	v1 =	vld.idx.msk [tilespmem:v3+s4+$0x0], $0xffff;
	(pc) =	sbr.rel @p2 .LBB2_8-.Ltmp2, $4  }
0x10e: {  	[tilespmem:s13+$0x1C720] =	vst v4;
	v2 =	vld [tilespmem:s13+$0x18740]  }
0x10f: {  	v3 =	vld.idx.msk [tilespmem:v5+s4+$0x0], $0xffff  }
0x110: {  	[tilespmem:s28+$0x1C700] =	vst v6;
	v4 =	vld [tilespmem:s28+$0x18720]  }
0x111: {  	s1 =	sshra.s32 s6, $0x2;
	s6 =	sadd.s32 $0x200, s6;
	v5 =	vld.idx.msk [tilespmem:v7+s4+$0x0], $0xffff;
	[tilespmem:s2+$0x1C770] =	vst v8;
	s2 =	smov.u32 s5  }
0x112: {  	v6 =	vld [tilespmem:s1+$0x18700];
	_ =	sdelay $0x5  }
0x113: {  	v7 =	vld [tilespmem:s1+$0x18710];
	_ =	sdelay $0x1  }
0x114: {  	v6 =	vld.idx.msk [tilespmem:v6+s4+$0x0], $0xffff;
	_ =	sdelay $0x4  }
0x115: {  	[tilespmem:s1+$0x1C700] =	vst v6;
	v6 =	vld [tilespmem:s1+$0x18720]  }
0x116: {  	v7 =	vld.idx.msk [tilespmem:v7+s4+$0x0], $0xffff;
	_ =	sdelay $0x1  }
0x117: {  	[tilespmem:s28+$0x1C710] =	vst v5;
	v5 =	vld [tilespmem:s28+$0x18730]  }
0x118: {  	v4 =	vld.idx.msk [tilespmem:v4+s4+$0x0], $0xffff;
	_ =	sdelay $0x1  }
0x119: {  	[tilespmem:s1+$0x1C710] =	vst v7;
	v7 =	vld [tilespmem:s1+$0x18730];
	_ =	sdelay $0x1  }
0x11a: {  	v6 =	vld.idx.msk [tilespmem:v6+s4+$0x0], $0xffff  }
0x11b: {  	[tilespmem:s28+$0x1C720] =	vst v4;
	v4 =	vld [tilespmem:s28+$0x18740]  }
0x11c: {  	[tilespmem:s13+$0x1C730] =	vst v3;
	v3 =	vld [tilespmem:s13+$0x18750]  }
0x11d: {  	v5 =	vld.idx.msk [tilespmem:v5+s4+$0x0], $0xffff  }
0x11e: {  	v2 =	vld.idx.msk [tilespmem:v2+s4+$0x0], $0xffff  }
0x11f: {  	[tilespmem:s1+$0x1C720] =	vst v6;
	v6 =	vld [tilespmem:s1+$0x18740]  }
0x120: {  	v7 =	vld.idx.msk [tilespmem:v7+s4+$0x0], $0xffff;
	_ =	sdelay $0x1  }
0x121: {  	[tilespmem:s28+$0x1C730] =	vst v5;
	v5 =	vld [tilespmem:s28+$0x18750]  }
0x122: {  	v4 =	vld.idx.msk [tilespmem:v4+s4+$0x0], $0xffff  }
0x123: {  	[tilespmem:s13+$0x1C740] =	vst v2;
	v2 =	vld [tilespmem:s13+$0x18760]  }
0x124: {  	[tilespmem:s1+$0x1C730] =	vst v7;
	v7 =	vld [tilespmem:s1+$0x18750]  }
0x125: {  	v3 =	vld.idx.msk [tilespmem:v3+s4+$0x0], $0xffff  }
0x126: {  	v6 =	vld.idx.msk [tilespmem:v6+s4+$0x0], $0xffff  }
0x127: {  	[tilespmem:s28+$0x1C740] =	vst v4;
	v4 =	vld [tilespmem:s28+$0x18760];
	_ =	sdelay $0x1  }
0x128: {  	v5 =	vld.idx.msk [tilespmem:v5+s4+$0x0], $0xffff  }
0x129: {  	[tilespmem:s13+$0x1C750] =	vst v3;
	v3 =	vld [tilespmem:s13+$0x18770]  }
0x12a: {  	[tilespmem:s1+$0x1C740] =	vst v6;
	v6 =	vld [tilespmem:s1+$0x18760]  }
0x12b: {  	[tilespmem:s2+$0x1C750] =	vst v1;
	v1 =	vld.idx.msk [tilespmem:v7+s4+$0x0], $0xffff  }
0x12c: {  	v2 =	vld.idx.msk [tilespmem:v2+s4+$0x0], $0xffff  }
0x12d: {  	[tilespmem:s28+$0x1C750] =	vst v5;
	v5 =	vld [tilespmem:s28+$0x18770]  }
0x12e: {  	v4 =	vld.idx.msk [tilespmem:v4+s4+$0x0], $0xffff  }
0x12f: {  	v7 =	vld [tilespmem:s2+$0x18770]  }
0x130: {  	[tilespmem:s1+$0x1C750] =	vst v1;
	v1 =	vld [tilespmem:s1+$0x18770]  }
0x131: {  	v0 =	vld.idx.msk [tilespmem:v0+s4+$0x0], $0xffff  }
0x132: {  	v6 =	vld.idx.msk [tilespmem:v6+s4+$0x0], $0xffff;
	_ =	sdelay $0x1  }
0x133: {  	[tilespmem:s13+$0x1C760] =	vst v2  }
0x134: {  	v2 =	vld.idx.msk [tilespmem:v3+s4+$0x0], $0xffff;
	[tilespmem:s28+$0x1C760] =	vst v4  }
0x135: {  	[tilespmem:s2+$0x1C760] =	vst v0;
	v3 =	vld.idx.msk [tilespmem:v5+s4+$0x0], $0xffff  }
0x136: {  	v0 =	vld.idx.msk [tilespmem:v7+s4+$0x0], $0xffff;
	[tilespmem:s1+$0x1C760] =	vst v6  }
0x137: {  	v1 =	vld.idx.msk [tilespmem:v1+s4+$0x0], $0xffff;
	_ =	sdelay $0x1  }
0x138: {  	[tilespmem:s13+$0x1C770] =	vst v2  }
0x139: {  	[tilespmem:s28+$0x1C770] =	vst v3  }
0x13a: {  	[tilespmem:s2+$0x1C770] =	vst v0;
	s2 =	sshll.u32 s0, $0xA  }
0x13b: {  	s5 =	simm.s32 $0x0;
	s13 =	sadd.s32 s2, s9;
	[tilespmem:s1+$0x1C770] =	vst v1  }
0x13c: {  	[tilespmem:s18], [sflag:$0x1] =	stream.linear.gather [hbm4b:s13+s5], $0x1000, $0x38;
	[tilespmem:$0x1E700] =	vst v63  }
0x13d: {  	_ =	swait.ge [sflag:s20], $0x1000  }
0x13e: {  	[sflag:s20] =	ssyncset.done $0x0  }
0x13f: {  	s13 =	simm.s32 $0x0;
	[sflag:s20] =	ssyncadd.s32 $0xFFFFF000  }
0x140: {  	v0 =	vld [tilespmem:s13+$0x19700];
	_ =	sdelay $0x6  }
0x141: {  	v1 =	vld [tilespmem:s13+$0x19710]  }
0x142: {  	v0 =	vld.idx.msk [tilespmem:v0+s4+$0x0], $0xffff;
	_ =	sdelay $0x1  }
0x143: {  	s28 =	simm.s32 $0x80  }
0x144: {  	v2 =	vld [tilespmem:s28+$0x19700];
	_ =	sdelay $0x1  }
0x145: {  	[tilespmem:s13+$0x1D700] =	vst v0;
	v0 =	vld [tilespmem:s13+$0x19720];
	_ =	sdelay $0x1  }
0x146: {  	v1 =	vld.idx.msk [tilespmem:v1+s4+$0x0], $0xffff;
	_ =	sdelay $0x2  }
0x147: {  	v3 =	vld [tilespmem:s28+$0x19710]  }
0x148: {  	v2 =	vld.idx.msk [tilespmem:v2+s4+$0x0], $0xffff  }
0x149: {  	[tilespmem:s13+$0x1D710] =	vst v1;
	v1 =	vld [tilespmem:s13+$0x19730]  }
0x14a: {  	v0 =	vld.idx.msk [tilespmem:v0+s4+$0x0], $0xffff;
	_ =	sdelay $0x3  }
0x14b: {  	[tilespmem:s28+$0x1D700] =	vst v2;
	v2 =	vld [tilespmem:s28+$0x19720]  }
0x14c: {  	[tilespmem:s13+$0x1D720] =	vst v0;
	v0 =	vld [tilespmem:s13+$0x19740]  }
0x14d: {  	v3 =	vld.idx.msk [tilespmem:v3+s4+$0x0], $0xffff  }
0x14e: {  	s1 =	simm.s32 $0x100;
	v1 =	vld.idx.msk [tilespmem:v1+s4+$0x0], $0xffff  }
0x14f: {  	v4 =	vld [tilespmem:s1+$0x19700];
	_ =	sdelay $0x2  }
0x150: {  	[tilespmem:s28+$0x1D710] =	vst v3;
	v3 =	vld [tilespmem:s28+$0x19730]  }
0x151: {  	[tilespmem:s13+$0x1D730] =	vst v1;
	v1 =	vld [tilespmem:s13+$0x19750]  }
0x152: {  	v0 =	vld.idx.msk [tilespmem:v0+s4+$0x0], $0xffff  }
0x153: {  	v2 =	vld.idx.msk [tilespmem:v2+s4+$0x0], $0xffff  }
0x154: {  	v5 =	vld [tilespmem:s1+$0x19710]  }
0x155: {  	v4 =	vld.idx.msk [tilespmem:v4+s4+$0x0], $0xffff;
	_ =	sdelay $0x1  }
0x156: {  	[tilespmem:s13+$0x1D740] =	vst v0;
	v0 =	vld [tilespmem:s13+$0x19760]  }
0x157: {  	[tilespmem:s28+$0x1D720] =	vst v2;
	v2 =	vld [tilespmem:s28+$0x19740]  }
0x158: {  	v1 =	vld.idx.msk [tilespmem:v1+s4+$0x0], $0xffff  }
0x159: {  	[tilespmem:s1+$0x1D700] =	vst v4;
	v4 =	vld [tilespmem:s1+$0x19720]  }
0x15a: {  	v3 =	vld.idx.msk [tilespmem:v3+s4+$0x0], $0xffff  }
0x15b: {  	s6 =	simm.s32 $0x180;
	s5 =	simm.s32 $0x800;
	v5 =	vld.idx.msk [tilespmem:v5+s4+$0x0], $0xffff  }
.LBB2_10:
0x15c: {  	p2 =	sne.s32 s5, $0x3E00;
	v6 =	vld [tilespmem:s6+$0x19700];
	s7 =	smov.u32 s28;
	s28 =	smov.u32 s1  }
0x15d: {  	s1 =	smov.u32 s6;
	[tilespmem:s13+$0x1D750] =	vst v1;
	v1 =	vld [tilespmem:s13+$0x19770]  }
0x15e: {  	v0 =	vld.idx.msk [tilespmem:v0+s4+$0x0], $0xffff  }
0x15f: {  	[tilespmem:s7+$0x1D730] =	vst v3;
	v3 =	vld [tilespmem:s7+$0x19750]  }
0x160: {  	v2 =	vld.idx.msk [tilespmem:v2+s4+$0x0], $0xffff  }
0x161: {  	[tilespmem:s28+$0x1D710] =	vst v5;
	v5 =	vld [tilespmem:s28+$0x19730]  }
0x162: {  	v4 =	vld.idx.msk [tilespmem:v4+s4+$0x0], $0xffff  }
0x163: {  	v7 =	vld [tilespmem:s1+$0x19710]  }
0x164: {  	v6 =	vld.idx.msk [tilespmem:v6+s4+$0x0], $0xffff;
	[tilespmem:s13+$0x1D760] =	vst v0  }
0x165: {  	v8 =	vld.idx.msk [tilespmem:v1+s4+$0x0], $0xffff  }
0x166: {  	[tilespmem:s7+$0x1D740] =	vst v2;
	v0 =	vld [tilespmem:s7+$0x19760]  }
.Ltmp3:
0x167: {  	v1 =	vld.idx.msk [tilespmem:v3+s4+$0x0], $0xffff;
	(pc) =	sbr.rel @p2 .LBB2_10-.Ltmp3, $4  }
0x168: {  	[tilespmem:s28+$0x1D720] =	vst v4;
	v2 =	vld [tilespmem:s28+$0x19740]  }
0x169: {  	v3 =	vld.idx.msk [tilespmem:v5+s4+$0x0], $0xffff  }
0x16a: {  	[tilespmem:s1+$0x1D700] =	vst v6;
	v4 =	vld [tilespmem:s1+$0x19720]  }
0x16b: {  	s6 =	sshra.s32 s5, $0x2;
	s5 =	sadd.s32 $0x200, s5;
	v5 =	vld.idx.msk [tilespmem:v7+s4+$0x0], $0xffff;
	[tilespmem:s13+$0x1D770] =	vst v8;
	s13 =	smov.u32 s7  }
0x16c: {  	v6 =	vld [tilespmem:s6+$0x19700];
	_ =	sdelay $0x5  }
0x16d: {  	v7 =	vld [tilespmem:s6+$0x19710];
	_ =	sdelay $0x1  }
0x16e: {  	v6 =	vld.idx.msk [tilespmem:v6+s4+$0x0], $0xffff;
	_ =	sdelay $0x3  }
0x16f: {  	v47 =	vld [tilespmem:s6+$0x19720]  }
0x170: {  	[tilespmem:s6+$0x1D700] =	vst v6  }
0x171: {  	v7 =	vld.idx.msk [tilespmem:v7+s4+$0x0], $0xffff;
	_ =	sdelay $0x2  }
0x172: {  	v48 =	vld [tilespmem:s1+$0x19730]  }
0x173: {  	v49 =	vld [tilespmem:s6+$0x19730];
	[tilespmem:s1+$0x1D710] =	vst v5  }
0x174: {  	v4 =	vld.idx.msk [tilespmem:v4+s4+$0x0], $0xffff;
	[tilespmem:s6+$0x1D710] =	vst v7  }
0x175: {  	v6 =	vld.idx.msk [tilespmem:v47+s4+$0x0], $0xffff  }
0x176: {  	v50 =	vld [tilespmem:s1+$0x19740]  }
0x177: {  	v51 =	vld [tilespmem:s6+$0x19740]  }
0x178: {  	v52 =	vld [tilespmem:s28+$0x19750]  }
0x179: {  	v53 =	vld [tilespmem:s1+$0x19750];
	[tilespmem:s1+$0x1D720] =	vst v4  }
0x17a: {  	v5 =	vld.idx.msk [tilespmem:v48+s4+$0x0], $0xffff;
	[tilespmem:s6+$0x1D720] =	vst v6  }
0x17b: {  	v7 =	vld.idx.msk [tilespmem:v49+s4+$0x0], $0xffff  }
0x17c: {  	v54 =	vld [tilespmem:s6+$0x19750]  }
0x17d: {  	v55 =	vld [tilespmem:s28+$0x19760]  }
0x17e: {  	v56 =	vld [tilespmem:s1+$0x19760];
	[tilespmem:s28+$0x1D730] =	vst v3  }
0x17f: {  	v2 =	vld.idx.msk [tilespmem:v2+s4+$0x0], $0xffff;
	[tilespmem:s1+$0x1D730] =	vst v5  }
0x180: {  	v4 =	vld.idx.msk [tilespmem:v50+s4+$0x0], $0xffff;
	[tilespmem:s6+$0x1D730] =	vst v7  }
0x181: {  	v6 =	vld.idx.msk [tilespmem:v51+s4+$0x0], $0xffff  }
0x182: {  	v57 =	vld [tilespmem:s6+$0x19760]  }
0x183: {  	v59 =	vld [tilespmem:s13+$0x19770]  }
0x184: {  	v60 =	vld [tilespmem:s28+$0x19770];
	[tilespmem:s28+$0x1D740] =	vst v2  }
0x185: {  	v3 =	vld.idx.msk [tilespmem:v52+s4+$0x0], $0xffff;
	[tilespmem:s1+$0x1D740] =	vst v4  }
0x186: {  	v5 =	vld.idx.msk [tilespmem:v53+s4+$0x0], $0xffff;
	[tilespmem:s6+$0x1D740] =	vst v6  }
0x187: {  	v58 =	vld.idx.msk [tilespmem:v54+s4+$0x0], $0xffff  }
0x188: {  	v61 =	vld [tilespmem:s1+$0x19770]  }
0x189: {  	[tilespmem:s13+$0x1D750] =	vst v1;
	v62 =	vld [tilespmem:s6+$0x19770]  }
0x18a: {  	v0 =	vld.idx.msk [tilespmem:v0+s4+$0x0], $0xffff;
	[tilespmem:s28+$0x1D750] =	vst v3  }
0x18b: {  	v2 =	vld.idx.msk [tilespmem:v55+s4+$0x0], $0xffff;
	[tilespmem:s1+$0x1D750] =	vst v5  }
0x18c: {  	v4 =	vld.idx.msk [tilespmem:v56+s4+$0x0], $0xffff;
	[tilespmem:s6+$0x1D750] =	vst v58  }
0x18d: {  	v6 =	vld.idx.msk [tilespmem:v57+s4+$0x0], $0xffff;
	_ =	sdelay $0x1  }
0x18e: {  	[tilespmem:s13+$0x1D760] =	vst v0  }
0x18f: {  	v0 =	vld.idx.msk [tilespmem:v59+s4+$0x0], $0xffff;
	[tilespmem:s28+$0x1D760] =	vst v2  }
0x190: {  	v2 =	vld.idx.msk [tilespmem:v60+s4+$0x0], $0xffff;
	[tilespmem:s1+$0x1D760] =	vst v4  }
0x191: {  	v63 =	vld.idx.msk [tilespmem:v61+s4+$0x0], $0xffff;
	[tilespmem:s6+$0x1D760] =	vst v6  }
0x192: {  	v1 =	vld.idx.msk [tilespmem:v62+s4+$0x0], $0xffff;
	_ =	sdelay $0x1  }
0x193: {  	[tilespmem:s13+$0x1D770] =	vst v0  }
0x194: {  	[tilespmem:s28+$0x1D770] =	vst v2  }
0x195: {  	s0 =	sshll.u32 s0, $0x13;
	s30 =	sadd.s32 $0x1, s30;
	[tilespmem:s1+$0x1D770] =	vst v63  }
0x196: {  	s0 =	sadd.s32 s31, s0;
	p2 =	sne.s32 s30, $0xC;
	s28 =	sadd.s32 s2, s11;
	[tilespmem:s6+$0x1D770] =	vst v1  }
0x197: {  	[tilespmem:s19], [sflag:$0x2] =	stream.linear.gather [hbm4b:s28+s4], $0x1000, $0x38;
	[tilespmem:$0x1E700] =	vst v63  }
.Ltmp4:
0x198: {  	s0 =	sshrl.u32 s0, $0x3;
	(pc) =	sbr.rel @p2 .LBB2_3-.Ltmp4, $4  }
0x199: {  	s0 =	sadd.s32 s3, s0  }
0x19a: {  	[hbm4b:s0+s15] =	stream.strided.scatter [tilespmem:s23], [sflag:$0x4], $0x1000, s16, s15, $0x38;
	[tilespmem:$0x1E700] =	vst v63  }
0x19b: {  	s0 =	sadd.s32 $0x8000, s0  }
0x19c: {  	[hbm4b:s0+s15] =	stream.strided.scatter [tilespmem:s24], [sflag:$0x4], $0x1000, s16, s15, $0x38;
	[tilespmem:$0x1E700] =	vst v63  }
0x19d: {  	_ =	swait.ge [sflag:s25], $0x2000  }
0x19e: {  	[sflag:s25] =	ssyncset.done $0x0  }
0x19f: {  	[sflag:s25] =	ssyncadd.s32 $0xFFFFE000  }
0x1a0: {  	_ =	swait.ge [sflag:s14], $0x1000  }
0x1a1: {  	[sflag:s14] =	ssyncset.done $0x0  }
0x1a2: {  	s0 =	simm.s32 $0x0;
	[sflag:s14] =	ssyncadd.s32 $0xFFFFF000  }
0x1a3: {  	v0 =	vld [tilespmem:s0+$0x18700];
	_ =	sdelay $0x6  }
0x1a4: {  	v1 =	vld [tilespmem:s0+$0x18710]  }
0x1a5: {  	v0 =	vld.idx.msk [tilespmem:v0+s4+$0x0], $0xffff;
	_ =	sdelay $0x1  }
0x1a6: {  	s2 =	simm.s32 $0x80  }
0x1a7: {  	v2 =	vld [tilespmem:s2+$0x18700];
	_ =	sdelay $0x1  }
0x1a8: {  	[tilespmem:s0+$0x1A700] =	vst v0;
	v0 =	vld [tilespmem:s0+$0x18720];
	_ =	sdelay $0x1  }
0x1a9: {  	v1 =	vld.idx.msk [tilespmem:v1+s4+$0x0], $0xffff;
	_ =	sdelay $0x2  }
0x1aa: {  	v3 =	vld [tilespmem:s2+$0x18710]  }
0x1ab: {  	v2 =	vld.idx.msk [tilespmem:v2+s4+$0x0], $0xffff  }
0x1ac: {  	[tilespmem:s0+$0x1A710] =	vst v1;
	v1 =	vld [tilespmem:s0+$0x18730]  }
0x1ad: {  	v0 =	vld.idx.msk [tilespmem:v0+s4+$0x0], $0xffff;
	_ =	sdelay $0x3  }
0x1ae: {  	[tilespmem:s2+$0x1A700] =	vst v2;
	v2 =	vld [tilespmem:s2+$0x18720]  }
0x1af: {  	[tilespmem:s0+$0x1A720] =	vst v0;
	v0 =	vld [tilespmem:s0+$0x18740]  }
0x1b0: {  	v3 =	vld.idx.msk [tilespmem:v3+s4+$0x0], $0xffff  }
0x1b1: {  	s1 =	simm.s32 $0x100;
	v1 =	vld.idx.msk [tilespmem:v1+s4+$0x0], $0xffff  }
0x1b2: {  	v4 =	vld [tilespmem:s1+$0x18700];
	_ =	sdelay $0x2  }
0x1b3: {  	[tilespmem:s2+$0x1A710] =	vst v3;
	v3 =	vld [tilespmem:s2+$0x18730]  }
0x1b4: {  	[tilespmem:s0+$0x1A730] =	vst v1;
	v1 =	vld [tilespmem:s0+$0x18750]  }
0x1b5: {  	v0 =	vld.idx.msk [tilespmem:v0+s4+$0x0], $0xffff  }
0x1b6: {  	v2 =	vld.idx.msk [tilespmem:v2+s4+$0x0], $0xffff  }
0x1b7: {  	v5 =	vld [tilespmem:s1+$0x18710]  }
0x1b8: {  	v4 =	vld.idx.msk [tilespmem:v4+s4+$0x0], $0xffff;
	_ =	sdelay $0x1  }
0x1b9: {  	[tilespmem:s0+$0x1A740] =	vst v0;
	v0 =	vld [tilespmem:s0+$0x18760]  }
0x1ba: {  	[tilespmem:s2+$0x1A720] =	vst v2;
	v2 =	vld [tilespmem:s2+$0x18740]  }
0x1bb: {  	v1 =	vld.idx.msk [tilespmem:v1+s4+$0x0], $0xffff  }
0x1bc: {  	[tilespmem:s1+$0x1A700] =	vst v4;
	v4 =	vld [tilespmem:s1+$0x18720]  }
0x1bd: {  	v3 =	vld.idx.msk [tilespmem:v3+s4+$0x0], $0xffff  }
0x1be: {  	s6 =	simm.s32 $0x180;
	s5 =	simm.s32 $0x800;
	v5 =	vld.idx.msk [tilespmem:v5+s4+$0x0], $0xffff  }
.LBB2_13:
0x1bf: {  	p2 =	sne.s32 s5, $0x3E00;
	v6 =	vld [tilespmem:s6+$0x18700];
	s7 =	smov.u32 s2;
	s2 =	smov.u32 s1  }
0x1c0: {  	s1 =	smov.u32 s6;
	[tilespmem:s0+$0x1A750] =	vst v1;
	v1 =	vld [tilespmem:s0+$0x18770]  }
0x1c1: {  	v0 =	vld.idx.msk [tilespmem:v0+s4+$0x0], $0xffff  }
0x1c2: {  	[tilespmem:s7+$0x1A730] =	vst v3;
	v3 =	vld [tilespmem:s7+$0x18750]  }
0x1c3: {  	v2 =	vld.idx.msk [tilespmem:v2+s4+$0x0], $0xffff  }
0x1c4: {  	[tilespmem:s2+$0x1A710] =	vst v5;
	v5 =	vld [tilespmem:s2+$0x18730]  }
0x1c5: {  	v4 =	vld.idx.msk [tilespmem:v4+s4+$0x0], $0xffff  }
0x1c6: {  	v7 =	vld [tilespmem:s1+$0x18710]  }
0x1c7: {  	v6 =	vld.idx.msk [tilespmem:v6+s4+$0x0], $0xffff;
	[tilespmem:s0+$0x1A760] =	vst v0  }
0x1c8: {  	v8 =	vld.idx.msk [tilespmem:v1+s4+$0x0], $0xffff  }
0x1c9: {  	[tilespmem:s7+$0x1A740] =	vst v2;
	v0 =	vld [tilespmem:s7+$0x18760]  }
.Ltmp5:
0x1ca: {  	v1 =	vld.idx.msk [tilespmem:v3+s4+$0x0], $0xffff;
	(pc) =	sbr.rel @p2 .LBB2_13-.Ltmp5, $4  }
0x1cb: {  	[tilespmem:s2+$0x1A720] =	vst v4;
	v2 =	vld [tilespmem:s2+$0x18740]  }
0x1cc: {  	v3 =	vld.idx.msk [tilespmem:v5+s4+$0x0], $0xffff  }
0x1cd: {  	[tilespmem:s1+$0x1A700] =	vst v6;
	v4 =	vld [tilespmem:s1+$0x18720]  }
0x1ce: {  	s6 =	sshra.s32 s5, $0x2;
	s5 =	sadd.s32 $0x200, s5;
	v5 =	vld.idx.msk [tilespmem:v7+s4+$0x0], $0xffff;
	[tilespmem:s0+$0x1A770] =	vst v8;
	s0 =	smov.u32 s7  }
0x1cf: {  	v6 =	vld [tilespmem:s6+$0x18700];
	_ =	sdelay $0x5  }
0x1d0: {  	v7 =	vld [tilespmem:s6+$0x18710];
	_ =	sdelay $0x1  }
0x1d1: {  	v6 =	vld.idx.msk [tilespmem:v6+s4+$0x0], $0xffff;
	_ =	sdelay $0x4  }
0x1d2: {  	[tilespmem:s6+$0x1A700] =	vst v6;
	v6 =	vld [tilespmem:s6+$0x18720]  }
0x1d3: {  	v7 =	vld.idx.msk [tilespmem:v7+s4+$0x0], $0xffff;
	_ =	sdelay $0x1  }
0x1d4: {  	[tilespmem:s1+$0x1A710] =	vst v5;
	v5 =	vld [tilespmem:s1+$0x18730]  }
0x1d5: {  	v4 =	vld.idx.msk [tilespmem:v4+s4+$0x0], $0xffff;
	_ =	sdelay $0x1  }
0x1d6: {  	[tilespmem:s6+$0x1A710] =	vst v7;
	v7 =	vld [tilespmem:s6+$0x18730];
	_ =	sdelay $0x1  }
0x1d7: {  	v6 =	vld.idx.msk [tilespmem:v6+s4+$0x0], $0xffff  }
0x1d8: {  	[tilespmem:s1+$0x1A720] =	vst v4;
	v4 =	vld [tilespmem:s1+$0x18740]  }
0x1d9: {  	[tilespmem:s2+$0x1A730] =	vst v3;
	v3 =	vld [tilespmem:s2+$0x18750]  }
0x1da: {  	v5 =	vld.idx.msk [tilespmem:v5+s4+$0x0], $0xffff  }
0x1db: {  	v2 =	vld.idx.msk [tilespmem:v2+s4+$0x0], $0xffff  }
0x1dc: {  	[tilespmem:s6+$0x1A720] =	vst v6;
	v6 =	vld [tilespmem:s6+$0x18740]  }
0x1dd: {  	v7 =	vld.idx.msk [tilespmem:v7+s4+$0x0], $0xffff;
	_ =	sdelay $0x1  }
0x1de: {  	[tilespmem:s1+$0x1A730] =	vst v5;
	v5 =	vld [tilespmem:s1+$0x18750]  }
0x1df: {  	v4 =	vld.idx.msk [tilespmem:v4+s4+$0x0], $0xffff  }
0x1e0: {  	[tilespmem:s2+$0x1A740] =	vst v2;
	v2 =	vld [tilespmem:s2+$0x18760]  }
0x1e1: {  	[tilespmem:s6+$0x1A730] =	vst v7;
	v7 =	vld [tilespmem:s6+$0x18750]  }
0x1e2: {  	v3 =	vld.idx.msk [tilespmem:v3+s4+$0x0], $0xffff  }
0x1e3: {  	v6 =	vld.idx.msk [tilespmem:v6+s4+$0x0], $0xffff  }
0x1e4: {  	[tilespmem:s1+$0x1A740] =	vst v4;
	v4 =	vld [tilespmem:s1+$0x18760];
	_ =	sdelay $0x1  }
0x1e5: {  	v5 =	vld.idx.msk [tilespmem:v5+s4+$0x0], $0xffff  }
0x1e6: {  	[tilespmem:s2+$0x1A750] =	vst v3;
	v3 =	vld [tilespmem:s2+$0x18770]  }
0x1e7: {  	[tilespmem:s6+$0x1A740] =	vst v6;
	v6 =	vld [tilespmem:s6+$0x18760]  }
0x1e8: {  	[tilespmem:s0+$0x1A750] =	vst v1;
	v1 =	vld.idx.msk [tilespmem:v7+s4+$0x0], $0xffff  }
0x1e9: {  	v2 =	vld.idx.msk [tilespmem:v2+s4+$0x0], $0xffff  }
0x1ea: {  	[tilespmem:s1+$0x1A750] =	vst v5;
	v5 =	vld [tilespmem:s1+$0x18770]  }
0x1eb: {  	v4 =	vld.idx.msk [tilespmem:v4+s4+$0x0], $0xffff  }
0x1ec: {  	v7 =	vld [tilespmem:s0+$0x18770]  }
0x1ed: {  	[tilespmem:s6+$0x1A750] =	vst v1;
	v1 =	vld [tilespmem:s6+$0x18770]  }
0x1ee: {  	v0 =	vld.idx.msk [tilespmem:v0+s4+$0x0], $0xffff  }
0x1ef: {  	v6 =	vld.idx.msk [tilespmem:v6+s4+$0x0], $0xffff;
	_ =	sdelay $0x1  }
0x1f0: {  	[tilespmem:s2+$0x1A760] =	vst v2  }
0x1f1: {  	v2 =	vld.idx.msk [tilespmem:v3+s4+$0x0], $0xffff;
	[tilespmem:s1+$0x1A760] =	vst v4  }
0x1f2: {  	[tilespmem:s0+$0x1A760] =	vst v0;
	v3 =	vld.idx.msk [tilespmem:v5+s4+$0x0], $0xffff  }
0x1f3: {  	v0 =	vld.idx.msk [tilespmem:v7+s4+$0x0], $0xffff;
	[tilespmem:s6+$0x1A760] =	vst v6  }
0x1f4: {  	v1 =	vld.idx.msk [tilespmem:v1+s4+$0x0], $0xffff;
	_ =	sdelay $0x1  }
0x1f5: {  	[tilespmem:s2+$0x1A770] =	vst v2  }
0x1f6: {  	[tilespmem:s1+$0x1A770] =	vst v3  }
0x1f7: {  	[tilespmem:s0+$0x1A770] =	vst v0  }
0x1f8: {  	[tilespmem:s6+$0x1A770] =	vst v1  }
0x1f9: {  	_ =	swait.ge [sflag:s20], $0x1000  }
0x1fa: {  	[sflag:s20] =	ssyncset.done $0x0  }
0x1fb: {  	s0 =	simm.s32 $0x0;
	[sflag:s20] =	ssyncadd.s32 $0xFFFFF000  }
0x1fc: {  	v0 =	vld [tilespmem:s0+$0x19700];
	_ =	sdelay $0x6  }
0x1fd: {  	v1 =	vld [tilespmem:s0+$0x19710]  }
0x1fe: {  	v0 =	vld.idx.msk [tilespmem:v0+s4+$0x0], $0xffff;
	_ =	sdelay $0x1  }
0x1ff: {  	s2 =	simm.s32 $0x80  }
0x200: {  	v2 =	vld [tilespmem:s2+$0x19700];
	_ =	sdelay $0x1  }
0x201: {  	[tilespmem:s0+$0x1B700] =	vst v0;
	v0 =	vld [tilespmem:s0+$0x19720];
	_ =	sdelay $0x1  }
0x202: {  	v1 =	vld.idx.msk [tilespmem:v1+s4+$0x0], $0xffff;
	_ =	sdelay $0x2  }
0x203: {  	v3 =	vld [tilespmem:s2+$0x19710]  }
0x204: {  	v2 =	vld.idx.msk [tilespmem:v2+s4+$0x0], $0xffff  }
0x205: {  	[tilespmem:s0+$0x1B710] =	vst v1;
	v1 =	vld [tilespmem:s0+$0x19730]  }
0x206: {  	v0 =	vld.idx.msk [tilespmem:v0+s4+$0x0], $0xffff;
	_ =	sdelay $0x3  }
0x207: {  	[tilespmem:s2+$0x1B700] =	vst v2;
	v2 =	vld [tilespmem:s2+$0x19720]  }
0x208: {  	[tilespmem:s0+$0x1B720] =	vst v0;
	v0 =	vld [tilespmem:s0+$0x19740]  }
0x209: {  	v3 =	vld.idx.msk [tilespmem:v3+s4+$0x0], $0xffff  }
0x20a: {  	s13 =	simm.s32 $0x100;
	v1 =	vld.idx.msk [tilespmem:v1+s4+$0x0], $0xffff  }
0x20b: {  	v4 =	vld [tilespmem:s13+$0x19700];
	_ =	sdelay $0x2  }
0x20c: {  	[tilespmem:s2+$0x1B710] =	vst v3;
	v3 =	vld [tilespmem:s2+$0x19730]  }
0x20d: {  	[tilespmem:s0+$0x1B730] =	vst v1;
	v1 =	vld [tilespmem:s0+$0x19750]  }
0x20e: {  	v0 =	vld.idx.msk [tilespmem:v0+s4+$0x0], $0xffff  }
0x20f: {  	v2 =	vld.idx.msk [tilespmem:v2+s4+$0x0], $0xffff  }
0x210: {  	v5 =	vld [tilespmem:s13+$0x19710]  }
0x211: {  	v4 =	vld.idx.msk [tilespmem:v4+s4+$0x0], $0xffff;
	_ =	sdelay $0x1  }
0x212: {  	[tilespmem:s0+$0x1B740] =	vst v0;
	v0 =	vld [tilespmem:s0+$0x19760]  }
0x213: {  	[tilespmem:s2+$0x1B720] =	vst v2;
	v2 =	vld [tilespmem:s2+$0x19740]  }
0x214: {  	v1 =	vld.idx.msk [tilespmem:v1+s4+$0x0], $0xffff  }
0x215: {  	[tilespmem:s13+$0x1B700] =	vst v4;
	v4 =	vld [tilespmem:s13+$0x19720]  }
0x216: {  	v3 =	vld.idx.msk [tilespmem:v3+s4+$0x0], $0xffff  }
0x217: {  	s5 =	simm.s32 $0x800;
	s1 =	simm.s32 $0x180;
	v5 =	vld.idx.msk [tilespmem:v5+s4+$0x0], $0xffff  }
.LBB2_15:
0x218: {  	p2 =	sne.s32 s5, $0x3E00;
	v6 =	vld [tilespmem:s1+$0x19700];
	s6 =	smov.u32 s2;
	s2 =	smov.u32 s13  }
0x219: {  	s13 =	smov.u32 s1;
	[tilespmem:s0+$0x1B750] =	vst v1;
	v1 =	vld [tilespmem:s0+$0x19770]  }
0x21a: {  	v0 =	vld.idx.msk [tilespmem:v0+s4+$0x0], $0xffff  }
0x21b: {  	[tilespmem:s6+$0x1B730] =	vst v3;
	v3 =	vld [tilespmem:s6+$0x19750]  }
0x21c: {  	v2 =	vld.idx.msk [tilespmem:v2+s4+$0x0], $0xffff  }
0x21d: {  	[tilespmem:s2+$0x1B710] =	vst v5;
	v5 =	vld [tilespmem:s2+$0x19730]  }
0x21e: {  	v4 =	vld.idx.msk [tilespmem:v4+s4+$0x0], $0xffff  }
0x21f: {  	v7 =	vld [tilespmem:s13+$0x19710]  }
0x220: {  	v6 =	vld.idx.msk [tilespmem:v6+s4+$0x0], $0xffff;
	[tilespmem:s0+$0x1B760] =	vst v0  }
0x221: {  	v8 =	vld.idx.msk [tilespmem:v1+s4+$0x0], $0xffff  }
0x222: {  	[tilespmem:s6+$0x1B740] =	vst v2;
	v0 =	vld [tilespmem:s6+$0x19760]  }
.Ltmp6:
0x223: {  	v1 =	vld.idx.msk [tilespmem:v3+s4+$0x0], $0xffff;
	(pc) =	sbr.rel @p2 .LBB2_15-.Ltmp6, $4  }
0x224: {  	[tilespmem:s2+$0x1B720] =	vst v4;
	v2 =	vld [tilespmem:s2+$0x19740]  }
0x225: {  	v3 =	vld.idx.msk [tilespmem:v5+s4+$0x0], $0xffff  }
0x226: {  	[tilespmem:s13+$0x1B700] =	vst v6;
	v4 =	vld [tilespmem:s13+$0x19720]  }
0x227: {  	s1 =	sshra.s32 s5, $0x2;
	s5 =	sadd.s32 $0x200, s5;
	v5 =	vld.idx.msk [tilespmem:v7+s4+$0x0], $0xffff;
	[tilespmem:s0+$0x1B770] =	vst v8;
	s0 =	smov.u32 s6  }
0x228: {  	v6 =	vld [tilespmem:s1+$0x19700];
	_ =	sdelay $0x5  }
0x229: {  	v7 =	vld [tilespmem:s1+$0x19710];
	_ =	sdelay $0x1  }
0x22a: {  	v6 =	vld.idx.msk [tilespmem:v6+s4+$0x0], $0xffff;
	_ =	sdelay $0x3  }
0x22b: {  	v47 =	vld [tilespmem:s1+$0x19720]  }
0x22c: {  	[tilespmem:s1+$0x1B700] =	vst v6  }
0x22d: {  	v7 =	vld.idx.msk [tilespmem:v7+s4+$0x0], $0xffff;
	_ =	sdelay $0x2  }
0x22e: {  	v48 =	vld [tilespmem:s13+$0x19730]  }
0x22f: {  	v49 =	vld [tilespmem:s1+$0x19730];
	[tilespmem:s13+$0x1B710] =	vst v5  }
0x230: {  	v4 =	vld.idx.msk [tilespmem:v4+s4+$0x0], $0xffff;
	[tilespmem:s1+$0x1B710] =	vst v7  }
0x231: {  	v6 =	vld.idx.msk [tilespmem:v47+s4+$0x0], $0xffff  }
0x232: {  	v50 =	vld [tilespmem:s13+$0x19740]  }
0x233: {  	v51 =	vld [tilespmem:s1+$0x19740]  }
0x234: {  	v52 =	vld [tilespmem:s2+$0x19750]  }
0x235: {  	v53 =	vld [tilespmem:s13+$0x19750];
	[tilespmem:s13+$0x1B720] =	vst v4  }
0x236: {  	v5 =	vld.idx.msk [tilespmem:v48+s4+$0x0], $0xffff;
	[tilespmem:s1+$0x1B720] =	vst v6  }
0x237: {  	v7 =	vld.idx.msk [tilespmem:v49+s4+$0x0], $0xffff  }
0x238: {  	v54 =	vld [tilespmem:s1+$0x19750]  }
0x239: {  	v55 =	vld [tilespmem:s2+$0x19760]  }
0x23a: {  	v56 =	vld [tilespmem:s13+$0x19760];
	[tilespmem:s2+$0x1B730] =	vst v3  }
0x23b: {  	v2 =	vld.idx.msk [tilespmem:v2+s4+$0x0], $0xffff;
	[tilespmem:s13+$0x1B730] =	vst v5  }
0x23c: {  	v4 =	vld.idx.msk [tilespmem:v50+s4+$0x0], $0xffff;
	[tilespmem:s1+$0x1B730] =	vst v7  }
0x23d: {  	v6 =	vld.idx.msk [tilespmem:v51+s4+$0x0], $0xffff  }
0x23e: {  	v57 =	vld [tilespmem:s1+$0x19760]  }
0x23f: {  	v59 =	vld [tilespmem:s0+$0x19770]  }
0x240: {  	v60 =	vld [tilespmem:s2+$0x19770];
	[tilespmem:s2+$0x1B740] =	vst v2  }
0x241: {  	v3 =	vld.idx.msk [tilespmem:v52+s4+$0x0], $0xffff;
	[tilespmem:s13+$0x1B740] =	vst v4  }
0x242: {  	v5 =	vld.idx.msk [tilespmem:v53+s4+$0x0], $0xffff;
	[tilespmem:s1+$0x1B740] =	vst v6  }
0x243: {  	v58 =	vld.idx.msk [tilespmem:v54+s4+$0x0], $0xffff  }
0x244: {  	v61 =	vld [tilespmem:s13+$0x19770]  }
0x245: {  	[tilespmem:s0+$0x1B750] =	vst v1;
	v62 =	vld [tilespmem:s1+$0x19770]  }
0x246: {  	v0 =	vld.idx.msk [tilespmem:v0+s4+$0x0], $0xffff;
	[tilespmem:s2+$0x1B750] =	vst v3  }
0x247: {  	v2 =	vld.idx.msk [tilespmem:v55+s4+$0x0], $0xffff;
	[tilespmem:s13+$0x1B750] =	vst v5  }
0x248: {  	v4 =	vld.idx.msk [tilespmem:v56+s4+$0x0], $0xffff;
	[tilespmem:s1+$0x1B750] =	vst v58  }
0x249: {  	v6 =	vld.idx.msk [tilespmem:v57+s4+$0x0], $0xffff;
	_ =	sdelay $0x1  }
0x24a: {  	[tilespmem:s0+$0x1B760] =	vst v0  }
0x24b: {  	v0 =	vld.idx.msk [tilespmem:v59+s4+$0x0], $0xffff;
	[tilespmem:s2+$0x1B760] =	vst v2  }
0x24c: {  	v2 =	vld.idx.msk [tilespmem:v60+s4+$0x0], $0xffff;
	[tilespmem:s13+$0x1B760] =	vst v4  }
0x24d: {  	v63 =	vld.idx.msk [tilespmem:v61+s4+$0x0], $0xffff;
	[tilespmem:s1+$0x1B760] =	vst v6  }
0x24e: {  	v1 =	vld.idx.msk [tilespmem:v62+s4+$0x0], $0xffff;
	_ =	sdelay $0x1  }
0x24f: {  	[tilespmem:s0+$0x1B770] =	vst v0  }
0x250: {  	s31 =	sadd.s32 s12, s29;
	[tilespmem:s2+$0x1B770] =	vst v2  }
0x251: {  	s0 =	sshrl.u32 s31, $0x3;
	[tilespmem:s13+$0x1B770] =	vst v63  }
0x252: {  	s0 =	sadd.s32 s3, s0;
	[tilespmem:s1+$0x1B770] =	vst v1  }
0x253: {  	[hbm4b:s0+s15] =	stream.strided.scatter [tilespmem:s21], [sflag:$0x3], $0x1000, s16, s15, $0x38;
	[tilespmem:$0x1E700] =	vst v63  }
0x254: {  	s0 =	sadd.s32 $0x8000, s0  }
0x255: {  	[hbm4b:s0+s15] =	stream.strided.scatter [tilespmem:s22], [sflag:$0x3], $0x1000, s16, s15, $0x38;
	[tilespmem:$0x1E700] =	vst v63  }
0x256: {  	_ =	swait.ge [sflag:s25], $0x2000  }
.Ltmp7:
0x257: {  	[sflag:s25] =	ssyncset.done $0x0;
	(pc) =	sbr.rel @p1 .LBB2_2-.Ltmp7, $4  }
0x258: {  	[sflag:s25] =	ssyncadd.s32 $0xFFFFE000  }
0x259: {  	_ =	swait.ge [sflag:s26], $0x2000  }
0x25a: {  	[sflag:s26] =	ssyncset.done $0x0  }
0x25b: {  	p2 =	por $0x0, $0x0;
	s0 =	simm.s32 $0x20;
	[sflag:s26] =	ssyncadd.s32 $0xFFFFE000  }
0x25c: {  	s1 =	rddreg [dreg:$0x8]  }
0x25d: {  	s0 =	rddreg [dreg:$0x7];
	s1 =	sadd.s32 $0x1, s1  }
0x25e: {  	p1 =	sne.s32 s1, s0  }
.Ltmp8:
0x25f: {  	_ = 	snop;
	(pc) =	sbr.rel @p1 .LBB2_1-.Ltmp8, $1  }
0x260: {  	_ =	sdelay $0x3  }
0x261: {  	_ =	sfence.sel $0x180000  }
0x262: {  	[bflag:$0x0] =	sbarrier.arrive $0xFFFF  }
0x263: {  	_ =	strace $0x90000047  }
0x264: {  	s0 =	stileid.u32;
	[bflag:$0x2] =	sbarrier.arrive $0xFFFF  }
0x265: {  	p0 =	sne.s32 s0, $0x0;
	s0 =	rddreg [dreg:$0x3]  }
0x266: {  	s0 =	sadd.s32 @!p0 $0x100000, s0  }
0x267: {  	[sflag:s0] =	ssyncadd.tile.s32 @!p0 $0x1;
	_ =	shalt  }
.Lfunc_end2:
_tile_overlayer_lowered:
.L_overlay_start_2:
0x268: {  	(tag) =	ssettag $0x2  }
0x269: {  	s0 =	rddreg [dreg:$0x0];
	s2 =	stileid.u32  }
0x26a: {  	s1 =	rddreg [dreg:$0x1];
	p0 =	sne.s32 s2, $0x0  }
0x26b: {  	s3 =	rddreg [dreg:$0x2];
	[bflag:$0x3] =	sbarrier.arrive $0xFFFF;
	s2 =	simm.s32 @!p0 $0x1C05  }
0x26c: {  	[timem:s3], [sflag:s2] =	dma.local @!p0 [hbm:s0], s1  }
0x26d: {  	s0 =	simm.s32 @!p0 $0x5  }
0x26e: {  	_ =	swait.ge @!p0 [sflag:s0], s1  }
0x26f: {  	s1 =	ssub.s32 @!p0 $0x0, s1;
	[sflag:s0] =	ssyncset.done @!p0 $0x0  }
0x270: {  	[sflag:s0] =	ssyncadd.s32 @!p0 s1  }
0x271: {  	[bflag:$0x3] =	sbarrier.arrive $0xFFFF  }
0x272: {  	_ =	shalt  }

</sc_bundles>
